<compile_context>
chip_gen: v7x
topology: tpu7x:2x2x1
jax: 0.10.2.dev20260603
libtpu: 0.0.44.dev20260713+nightly
codegen_flags: <defaults>
</compile_context>

<pallas_src>
import functools

import jax
import jax.numpy as jnp
from jax import lax
from jax.experimental import pallas as pl
from jax.experimental.pallas import tpu as pltpu
from jax.experimental.pallas import tpu_sc as plsc

_NW = 32



def _sc_gather3(ntab, ttab, emb, idx):
    n_idx = idx.shape[0]
    nn = ntab.shape[1]
    d = emb.shape[1]
    b = n_idx // _NW
    mesh = plsc.VectorSubcoreMesh(core_axis_name="c", subcore_axis_name="s")

    @functools.partial(
        pl.kernel,
        out_type=(
            jax.ShapeDtypeStruct((n_idx, nn), jnp.int32),
            jax.ShapeDtypeStruct((n_idx, nn), jnp.float32),
            jax.ShapeDtypeStruct((n_idx, d), jnp.float32),
        ),
        mesh=mesh,
        compiler_params=pltpu.CompilerParams(use_tc_tiling_on_sc=False),
        scratch_types=[
            pltpu.VMEM((b,), jnp.int32),
            pltpu.VMEM((b, nn), jnp.int32),
            pltpu.VMEM((b, nn), jnp.float32),
            pltpu.VMEM((b, d), jnp.float32),
            pltpu.SemaphoreType.DMA,
            pltpu.SemaphoreType.DMA,
            pltpu.SemaphoreType.DMA,
        ],
    )
    def k(ntab_hbm, ttab_hbm, emb_hbm, idx_hbm, n_out, t_out, e_out,
          idx_v, n_v, t_v, e_v, sem1, sem2, sem3):
        wid = lax.axis_index("s") * 2 + lax.axis_index("c")
        base = wid * b
        pltpu.sync_copy(idx_hbm.at[pl.ds(base, b)], idx_v)
        c1 = pltpu.async_copy(ntab_hbm.at[idx_v], n_v, sem1)
        c2 = pltpu.async_copy(ttab_hbm.at[idx_v], t_v, sem2)
        c3 = pltpu.async_copy(emb_hbm.at[idx_v], e_v, sem3)
        c1.wait()
        c2.wait()
        c3.wait()
        pltpu.sync_copy(n_v, n_out.at[pl.ds(base, b)])
        pltpu.sync_copy(t_v, t_out.at[pl.ds(base, b)])
        pltpu.sync_copy(e_v, e_out.at[pl.ds(base, b)])

    return k(ntab, ttab, emb, idx)


def _sc_gather_embed(emb, idx, chunk):
    n_idx = idx.shape[0]
    d = emb.shape[1]
    b = n_idx // _NW
    nchunks = b // chunk
    mesh = plsc.VectorSubcoreMesh(core_axis_name="c", subcore_axis_name="s")

    @functools.partial(
        pl.kernel,
        out_type=jax.ShapeDtypeStruct((n_idx, d), jnp.float32),
        mesh=mesh,
        scratch_types=[
            pltpu.VMEM((chunk,), jnp.int32),
            pltpu.VMEM((chunk, d), jnp.float32),
            pltpu.SemaphoreType.DMA,
        ],
    )
    def k(emb_hbm, idx_hbm, out_hbm, idx_v, rows_v, sem):
        wid = lax.axis_index("s") * 2 + lax.axis_index("c")
        base = wid * b
        for c in range(nchunks):
            off = base + c * chunk
            pltpu.sync_copy(idx_hbm.at[pl.ds(off, chunk)], idx_v)
            pltpu.async_copy(emb_hbm.at[idx_v], rows_v, sem).wait()
            pltpu.sync_copy(rows_v, out_hbm.at[pl.ds(off, chunk)])

    return k(emb, idx)




def _precise_cos(x):
    k = jnp.floor(x * 0.3183098861837907 + 0.5)
    y = ((x - k * 3.140625) - k * 0.0009676535846665502) \
        - k * 5.126565838509123e-12
    u = y * y
    acc = jnp.float32(-1.1470745597729725e-11)
    for c in (2.08767569878681e-09, -2.755731922398589e-07,
              2.48015873015873e-05, -1.3888888888888889e-03,
              4.1666666666666664e-02, -0.5, 1.0):
        acc = acc * u + c
    parity = k - 2.0 * jnp.floor(k * 0.5)
    return acc * (1.0 - 2.0 * parity)


def _attn_body(src_ref, seq_ref, t_ref, tn_ref, ngh_ref, freq_ref, phase_ref,
               wq_ref, wk_ref, wv_ref, wo_ref, mw1_ref, mb1_ref, mw2_ref,
               mb2_ref, out_ref):
    bq, d = src_ref.shape
    nn = tn_ref.shape[1]
    m = wq_ref.shape[0]
    n_head = 4
    d_head = m // n_head

    src = src_ref[...]
    phase = phase_ref[...]
    src_t = jnp.cos(phase)
    q_in = jnp.concatenate(
        [src, lax.broadcast_in_dim(src_t, (bq, d), (0, 1))], axis=1)
    q = jnp.dot(q_in, wq_ref[...], preferred_element_type=jnp.float32)

    delta = t_ref[...] - tn_ref[...]
    d3 = lax.broadcast_in_dim(delta, (bq, nn, d), (0, 1))
    freq3 = lax.broadcast_in_dim(freq_ref[...], (bq, nn, d), (1, 2))
    phase3 = lax.broadcast_in_dim(phase, (bq, nn, d), (1, 2))
    t_enc = jnp.cos(d3 * freq3 + phase3)
    seq = seq_ref[...].reshape(bq, nn, d)
    k_in = jnp.concatenate([seq, t_enc], axis=2).reshape(bq * nn, m)
    kk = jnp.dot(k_in, wk_ref[...], preferred_element_type=jnp.float32)
    vv = jnp.dot(k_in, wv_ref[...], preferred_element_type=jnp.float32)

    prod = lax.broadcast_in_dim(q, (bq, nn, m), (0, 2)) * kk.reshape(bq, nn, m)
    vv3 = vv.reshape(bq, nn, m)
    mask = ngh_ref[...] == 0
    scale = 1.0 / (d_head ** 0.5)
    o_heads = []
    for h in range(n_head):
        sh = jnp.sum(prod[:, :, h * d_head:(h + 1) * d_head], axis=2) * scale
        sh = jnp.where(mask, -1e10, sh)
        mh = jnp.max(sh, axis=1, keepdims=True)
        eh = jnp.exp(sh - mh)
        ah = eh / jnp.sum(eh, axis=1, keepdims=True)
        vh = vv3[:, :, h * d_head:(h + 1) * d_head]
        oh = jnp.sum(lax.broadcast_in_dim(ah, (bq, nn, d_head), (0, 1)) * vh,
                     axis=1)
        o_heads.append(oh)
    o = jnp.concatenate(o_heads, axis=1)
    o = jnp.dot(o, wo_ref[...], preferred_element_type=jnp.float32)

    h1 = jnp.concatenate([o, src], axis=1)
    h1 = jnp.maximum(
        jnp.dot(h1, mw1_ref[...], preferred_element_type=jnp.float32)
        + mb1_ref[...], 0.0)
    out_ref[...] = (jnp.dot(h1, mw2_ref[...], preferred_element_type=jnp.float32)
                    + mb2_ref[...])


def _attn_layer(src, seq_flat, t, tn, ngh, freq2, phase2, p, bq):
    nq, d = src.shape
    nn = tn.shape[1]
    m = 2 * d
    grid = (nq // bq,)
    full = lambda r, c: pl.BlockSpec((r, c), lambda i: (0, 0))
    return pl.pallas_call(
        _attn_body,
        grid=grid,
        in_specs=[
            pl.BlockSpec((bq, d), lambda i: (i, 0)),
            pl.BlockSpec((bq * nn, d), lambda i: (i, 0)),
            pl.BlockSpec((bq, 1), lambda i: (i, 0)),
            pl.BlockSpec((bq, nn), lambda i: (i, 0)),
            pl.BlockSpec((bq, nn), lambda i: (i, 0)),
            full(1, d),
            full(1, d),
            full(m, m),
            full(m, m),
            full(m, m),
            full(m, m),
            full(m + d, d),
            full(1, d),
            full(d, d),
            full(1, d),
        ],
        out_specs=pl.BlockSpec((bq, d), lambda i: (i, 0)),
        out_shape=jax.ShapeDtypeStruct((nq, d), jnp.float32),
    )(src, seq_flat, t, tn, ngh, freq2, phase2,
      p['Wq'], p['Wk'], p['Wv'], p['Wo'],
      p['mw1'], p['mb1'][None, :], p['mw2'], p['mb2'][None, :])




def _score_body(cs_ref, ct_ref, aw1_ref, ab1_ref, aw2_ref, ab2_ref, out_ref):
    hcat = jnp.concatenate([cs_ref[...], ct_ref[...]], axis=1)
    h = jnp.maximum(
        jnp.dot(hcat, aw1_ref[...], preferred_element_type=jnp.float32)
        + ab1_ref[...], 0.0)
    out_ref[...] = (jnp.dot(h, aw2_ref[...], preferred_element_type=jnp.float32)
                    + ab2_ref[...])


def _score_call(cs, ct, aw1, ab1, aw2, ab2):
    b, d = cs.shape
    aw2p = jnp.pad(aw2, ((0, 0), (0, d - aw2.shape[1])))
    ab2p = jnp.pad(ab2, (0, d - ab2.shape[0]))[None, :]
    out = pl.pallas_call(
        _score_body,
        out_shape=jax.ShapeDtypeStruct((b, d), jnp.float32),
    )(cs, ct, aw1, ab1[None, :], aw2p, ab2p)
    return out[:, 0]




def kernel(src_idx_l, target_idx_l, cut_time_l, num_neighbors, node_embed,
           ngh_node_table, ngh_time_table, time_freq, time_phase, params):
    nn = ngh_node_table.shape[1]

    q1 = jnp.concatenate([src_idx_l, target_idx_l])
    t1 = jnp.concatenate([cut_time_l, cut_time_l])

    n1, tn1, e_q1 = _sc_gather3(ngh_node_table, ngh_time_table, node_embed, q1)
    q2 = n1.reshape(-1)
    t2 = tn1.reshape(-1)
    n2, tn2, e_q2 = _sc_gather3(ngh_node_table, ngh_time_table, node_embed, q2)
    qk = n2.reshape(-1)
    ek2 = _sc_gather_embed(node_embed, qk, chunk=512)

    colpad = jnp.arange(nn)[None, :] >= num_neighbors
    n1m = jnp.where(colpad, 0, n1)
    n2m = jnp.where(colpad, 0, n2)

    freq2 = time_freq[None, :]
    phase2 = time_phase[None, :]

    c1a = _attn_layer(e_q1, e_q2, t1[:, None], tn1, n1m,
                      freq2, phase2, params['layer0'], bq=512)
    c1b = _attn_layer(e_q2, ek2, t2[:, None], tn2, n2m,
                      freq2, phase2, params['layer0'], bq=512)
    c2 = _attn_layer(c1a, c1b, t1[:, None], tn1, n1m,
                     freq2, phase2, params['layer1'], bq=512)

    b = src_idx_l.shape[0]
    return _score_call(c2[:b], c2[b:], params['aw1'], params['ab1'],
                       params['aw2'], params['ab2'])

# --- scband reference (transcript-rebuilt; emitter-appended) ---
"""Pipeline reference for scband-tagon-50818053046892 (READ-ONLY COPY).

The authoritative reference and input builder live on the scoring server;
editing this copy changes nothing except your own understanding.
"""

import jax, jax.numpy as jnp
import numpy as np

N_NODES = 100000
NODE_DIM = 128
TIME_DIM = 128
NUM_LAYERS = 2
N_HEAD = 4
NUM_NEIGHBORS = 16
BATCH = 256
MODEL_DIM = NODE_DIM + TIME_DIM
D_HEAD = MODEL_DIM // N_HEAD


def _make_params(key):
    ks = jax.random.split(key, NUM_LAYERS * 6 + 2)
    params = {}
    i = 0
    for l in range(NUM_LAYERS):
        p = {}
        p['Wq'] = jax.random.normal(ks[i], (MODEL_DIM, MODEL_DIM), jnp.float32) * 0.05; i += 1
        p['Wk'] = jax.random.normal(ks[i], (MODEL_DIM, MODEL_DIM), jnp.float32) * 0.05; i += 1
        p['Wv'] = jax.random.normal(ks[i], (MODEL_DIM, MODEL_DIM), jnp.float32) * 0.05; i += 1
        p['Wo'] = jax.random.normal(ks[i], (MODEL_DIM, MODEL_DIM), jnp.float32) * 0.05; i += 1
        p['mw1'] = jax.random.normal(ks[i], (MODEL_DIM + NODE_DIM, NODE_DIM), jnp.float32) * 0.05; i += 1
        p['mb1'] = jnp.zeros((NODE_DIM,), jnp.float32)
        p['mw2'] = jax.random.normal(ks[i], (NODE_DIM, NODE_DIM), jnp.float32) * 0.05; i += 1
        p['mb2'] = jnp.zeros((NODE_DIM,), jnp.float32)
        params['layer%d' % l] = p
    params['aw1'] = jax.random.normal(ks[i], (2 * NODE_DIM, NODE_DIM), jnp.float32) * 0.05; i += 1
    params['ab1'] = jnp.zeros((NODE_DIM,), jnp.float32)
    params['aw2'] = jax.random.normal(ks[i], (NODE_DIM, 1), jnp.float32) * 0.05
    params['ab2'] = jnp.zeros((1,), jnp.float32)
    return params


def setup_inputs(seed: int = 0):
    key = jax.random.key(seed)
    ks = jax.random.split(key, 8)
    return {
        'src_idx_l': jax.random.randint(ks[0], (BATCH,), 0, N_NODES, dtype=jnp.int32),
        'target_idx_l': jax.random.randint(ks[1], (BATCH,), 0, N_NODES, dtype=jnp.int32),
        'cut_time_l': jax.random.uniform(ks[2], (BATCH,), jnp.float32) * 100.0,
        'num_neighbors': NUM_NEIGHBORS,
        'node_embed': jax.random.uniform(ks[3], (N_NODES, NODE_DIM), jnp.float32, -1.0, 1.0),
        'ngh_node_table': jax.random.randint(ks[4], (N_NODES, NUM_NEIGHBORS), 0, N_NODES, dtype=jnp.int32),
        'ngh_time_table': jax.random.uniform(ks[5], (N_NODES, NUM_NEIGHBORS), jnp.float32) * 100.0,
        'time_freq': (1.0 / (10.0 ** jnp.linspace(0.0, 9.0, TIME_DIM))).astype(jnp.float32),
        'time_phase': jnp.zeros((TIME_DIM,), jnp.float32),
        'params': _make_params(ks[6]),
    }


def _time_encode(ts, freq, phase):
    return jnp.cos(ts[..., None] * freq + phase)


def _attn(p, src, src_t, seq, seq_t, mask):
    B = src.shape[0]
    Nn = seq.shape[1]
    q = jnp.concatenate([src[:, None, :], src_t], axis=-1)
    k = jnp.concatenate([seq, seq_t], axis=-1)
    Q = (q @ p['Wq']).reshape(B, 1, N_HEAD, D_HEAD).transpose(0, 2, 1, 3)
    K = (k @ p['Wk']).reshape(B, Nn, N_HEAD, D_HEAD).transpose(0, 2, 1, 3)
    V = (k @ p['Wv']).reshape(B, Nn, N_HEAD, D_HEAD).transpose(0, 2, 1, 3)
    scores = (Q @ K.transpose(0, 1, 3, 2)) / np.sqrt(D_HEAD).astype(np.float32)
    scores = jnp.where(mask[:, None, None, :], -1e10, scores)
    a = jax.nn.softmax(scores, axis=-1)
    o = (a @ V).transpose(0, 2, 1, 3).reshape(B, 1, MODEL_DIM)
    o = (o @ p['Wo'])[:, 0, :]
    h = jax.nn.relu(jnp.concatenate([o, src], axis=-1) @ p['mw1'] + p['mb1'])
    return h @ p['mw2'] + p['mb2']


def _forward(src_idx_l, target_idx_l, cut_time_l, num_neighbors, node_embed, ngh_node_table, ngh_time_table, time_freq, time_phase, params):
    nn = ngh_node_table.shape[1]

    def conv(idx, t, layers):
        src_feat = jnp.take(node_embed, idx, axis=0)
        if layers == 0:
            return src_feat
        src_conv = conv(idx, t, layers - 1)
        ngh = jnp.take(ngh_node_table, idx, axis=0)[:, :nn]
        ngh_t = jnp.take(ngh_time_table, idx, axis=0)[:, :nn]
        delta = t[:, None] - ngh_t
        ngh_conv = conv(ngh.reshape(-1), ngh_t.reshape(-1), layers - 1)
        ngh_feat = ngh_conv.reshape(idx.shape[0], nn, -1)
        src_t_embed = _time_encode(jnp.zeros_like(t)[:, None], time_freq, time_phase)
        ngh_t_embed = _time_encode(delta, time_freq, time_phase)
        mask = (ngh == 0) | (jnp.arange(nn) >= num_neighbors)
        return _attn(params['layer%d' % (layers - 1)], src_conv, src_t_embed, ngh_feat, ngh_t_embed, mask)

    src_embed = conv(src_idx_l, cut_time_l, NUM_LAYERS)
    tgt_embed = conv(target_idx_l, cut_time_l, NUM_LAYERS)
    h = jax.nn.relu(jnp.concatenate([src_embed, tgt_embed], axis=-1) @ params['aw1'] + params['ab1'])
    score = h @ params['aw2'] + params['ab2']
    return jnp.squeeze(score, axis=-1)


def reference(src_idx_l, target_idx_l, cut_time_l, num_neighbors, node_embed, ngh_node_table, ngh_time_table, time_freq, time_phase, params):
    return _forward(src_idx_l, target_idx_l, cut_time_l, num_neighbors, node_embed, ngh_node_table, ngh_time_table, time_freq, time_phase, params)

if __name__ == "__main__":
    import jax
    _d = setup_inputs()
    print(jax.jit(kernel)(*tuple(_d.values())))

</pallas_src>

<mosaic_0001>
#map = affine_map<(d0, d1) -> (0, 0)>
#map1 = affine_map<(d0, d1) -> (0)>
module attributes {stable_mosaic.version = 14 : i64} {
  func.func @k(%arg0: i32, %arg1: i32, %arg2: memref<100000x16xi32, #tpu.memory_space<hbm>>, %arg3: memref<100000x16xf32, #tpu.memory_space<hbm>>, %arg4: memref<100000x128xf32, #tpu.memory_space<hbm>>, %arg5: memref<8192xi32, #tpu.memory_space<hbm>>, %arg6: memref<8192x16xi32, #tpu.memory_space<hbm>>, %arg7: memref<8192x16xf32, #tpu.memory_space<hbm>>, %arg8: memref<8192x128xf32, #tpu.memory_space<hbm>>, %arg9: memref<256xi32, #tpu.memory_space<vmem>>, %arg10: memref<256x16xi32, #tpu.memory_space<vmem>>, %arg11: memref<256x16xf32, #tpu.memory_space<vmem>>, %arg12: memref<256x128xf32, #tpu.memory_space<vmem>>, %arg13: memref<!tpu.dma_semaphore, #tpu.memory_space<semaphore_mem>>, %arg14: memref<!tpu.dma_semaphore, #tpu.memory_space<semaphore_mem>>, %arg15: memref<!tpu.dma_semaphore, #tpu.memory_space<semaphore_mem>>) attributes {dimension_semantics = [#tpu.dimension_semantics<core_parallel>, #tpu.dimension_semantics<subcore_parallel>], iteration_bounds = array<i64: 2, 16>, scalar_prefetch = 0 : i64, scratch_operands = 7 : i64, tpu.core_type = #tpu.core_type<sc_vector_subcore>, window_params = [{transform_indices = #map}, {transform_indices = #map}, {transform_indices = #map}, {transform_indices = #map1}, {transform_indices = #map}, {transform_indices = #map}, {transform_indices = #map}]} {
    %mul3A = arith.constant 2 : i32
    %mul3A_0 = arith.muli %arg1, %mul3A : i32
    %add3A = arith.addi %mul3A_0, %arg0 : i32
    %mul3A_1 = arith.constant 256 : i32
    %mul3A_2 = arith.muli %add3A, %mul3A_1 : i32
    "tpu.region"() ({
      %run_scoped3A = tpu.sem_alloc : memref<!tpu.dma_semaphore, #tpu.memory_space<semaphore_mem>>
      %dma_start3A_19 = tpu.memref_slice %arg5[%mul3A_2] : memref<8192xi32, #tpu.memory_space<hbm>> -> memref<256xi32, #tpu.memory_space<hbm>>
      %dma_start3A_20 = tpu.memref_slice %arg5[%mul3A_2] : memref<8192xi32, #tpu.memory_space<hbm>> -> memref<256xi32, #tpu.memory_space<hbm>>
      tpu.enqueue_dma source(%dma_start3A_20 : memref<256xi32, #tpu.memory_space<hbm>>) target(%arg9 : memref<256xi32, #tpu.memory_space<vmem>>) target_semaphore(%run_scoped3A : memref<!tpu.dma_semaphore, #tpu.memory_space<semaphore_mem>>)
      %dma_wait3A_21 = tpu.memref_slice %arg5[%mul3A_2] : memref<8192xi32, #tpu.memory_space<hbm>> -> memref<256xi32, #tpu.memory_space<hbm>>
      %dma_wait3A_22 = tpu.memref_slice %arg5[%mul3A_2] : memref<8192xi32, #tpu.memory_space<hbm>> -> memref<256xi32, #tpu.memory_space<hbm>>
      tpu.wait_dma2 semaphore(%run_scoped3A : memref<!tpu.dma_semaphore, #tpu.memory_space<semaphore_mem>>) src(%dma_wait3A_22 : memref<256xi32, #tpu.memory_space<hbm>>) dst(%arg9 : memref<256xi32, #tpu.memory_space<vmem>>)
      tpu.yield
    }) : () -> ()
    %dma_start3A = arith.constant 0 : i32
    %dma_start3A_3 = arith.constant 0 : i32
    %dma_start3A_4 = tpu.memref_slice %arg2[%dma_start3A, %dma_start3A_3] : memref<100000x16xi32, #tpu.memory_space<hbm>> -> memref<100000x16xi32, #tpu.memory_space<hbm>>
    tpu.enqueue_indirect_dma source(%dma_start3A_4 : memref<100000x16xi32, #tpu.memory_space<hbm>>) target(%arg10 : memref<256x16xi32, #tpu.memory_space<vmem>>) offsets(%arg9 : memref<256xi32, #tpu.memory_space<vmem>>) semaphore(%arg13 : memref<!tpu.dma_semaphore, #tpu.memory_space<semaphore_mem>>)
    %dma_start3A_5 = arith.constant 0 : i32
    %dma_start3A_6 = arith.constant 0 : i32
    %dma_start3A_7 = tpu.memref_slice %arg3[%dma_start3A_5, %dma_start3A_6] : memref<100000x16xf32, #tpu.memory_space<hbm>> -> memref<100000x16xf32, #tpu.memory_space<hbm>>
    tpu.enqueue_indirect_dma source(%dma_start3A_7 : memref<100000x16xf32, #tpu.memory_space<hbm>>) target(%arg11 : memref<256x16xf32, #tpu.memory_space<vmem>>) offsets(%arg9 : memref<256xi32, #tpu.memory_space<vmem>>) semaphore(%arg14 : memref<!tpu.dma_semaphore, #tpu.memory_space<semaphore_mem>>)
    %dma_start3A_8 = arith.constant 0 : i32
    %dma_start3A_9 = arith.constant 0 : i32
    %dma_start3A_10 = tpu.memref_slice %arg4[%dma_start3A_8, %dma_start3A_9] : memref<100000x128xf32, #tpu.memory_space<hbm>> -> memref<100000x128xf32, #tpu.memory_space<hbm>>
    tpu.enqueue_indirect_dma source(%dma_start3A_10 : memref<100000x128xf32, #tpu.memory_space<hbm>>) target(%arg12 : memref<256x128xf32, #tpu.memory_space<vmem>>) offsets(%arg9 : memref<256xi32, #tpu.memory_space<vmem>>) semaphore(%arg15 : memref<!tpu.dma_semaphore, #tpu.memory_space<semaphore_mem>>)
    %dma_wait3A = arith.constant 0 : i32
    %dma_wait3A_11 = arith.constant 0 : i32
    %dma_wait3A_12 = tpu.memref_slice %arg2[%dma_wait3A, %dma_wait3A_11] : memref<100000x16xi32, #tpu.memory_space<hbm>> -> memref<100000x16xi32, #tpu.memory_space<hbm>>
    tpu.wait_indirect_dma semaphore(%arg13 : memref<!tpu.dma_semaphore, #tpu.memory_space<semaphore_mem>>) src(%dma_wait3A_12 : memref<100000x16xi32, #tpu.memory_space<hbm>>) dst(%arg10 : memref<256x16xi32, #tpu.memory_space<vmem>>)
    %dma_wait3A_13 = arith.constant 0 : i32
    %dma_wait3A_14 = arith.constant 0 : i32
    %dma_wait3A_15 = tpu.memref_slice %arg3[%dma_wait3A_13, %dma_wait3A_14] : memref<100000x16xf32, #tpu.memory_space<hbm>> -> memref<100000x16xf32, #tpu.memory_space<hbm>>
    tpu.wait_indirect_dma semaphore(%arg14 : memref<!tpu.dma_semaphore, #tpu.memory_space<semaphore_mem>>) src(%dma_wait3A_15 : memref<100000x16xf32, #tpu.memory_space<hbm>>) dst(%arg11 : memref<256x16xf32, #tpu.memory_space<vmem>>)
    %dma_wait3A_16 = arith.constant 0 : i32
    %dma_wait3A_17 = arith.constant 0 : i32
    %dma_wait3A_18 = tpu.memref_slice %arg4[%dma_wait3A_16, %dma_wait3A_17] : memref<100000x128xf32, #tpu.memory_space<hbm>> -> memref<100000x128xf32, #tpu.memory_space<hbm>>
    tpu.wait_indirect_dma semaphore(%arg15 : memref<!tpu.dma_semaphore, #tpu.memory_space<semaphore_mem>>) src(%dma_wait3A_18 : memref<100000x128xf32, #tpu.memory_space<hbm>>) dst(%arg12 : memref<256x128xf32, #tpu.memory_space<vmem>>)
    "tpu.region"() ({
      %run_scoped3A = tpu.sem_alloc : memref<!tpu.dma_semaphore, #tpu.memory_space<semaphore_mem>>
      %dma_start3A_19 = arith.constant 0 : i32
      %dma_start3A_20 = tpu.memref_slice %arg6[%mul3A_2, %dma_start3A_19] : memref<8192x16xi32, #tpu.memory_space<hbm>> -> memref<256x16xi32, #tpu.memory_space<hbm>>
      %dma_start3A_21 = arith.constant 0 : i32
      %dma_start3A_22 = tpu.memref_slice %arg6[%mul3A_2, %dma_start3A_21] : memref<8192x16xi32, #tpu.memory_space<hbm>> -> memref<256x16xi32, #tpu.memory_space<hbm>>
      tpu.enqueue_dma source(%arg10 : memref<256x16xi32, #tpu.memory_space<vmem>>) target(%dma_start3A_22 : memref<256x16xi32, #tpu.memory_space<hbm>>) target_semaphore(%run_scoped3A : memref<!tpu.dma_semaphore, #tpu.memory_space<semaphore_mem>>)
      %dma_wait3A_23 = arith.constant 0 : i32
      %dma_wait3A_24 = tpu.memref_slice %arg6[%mul3A_2, %dma_wait3A_23] : memref<8192x16xi32, #tpu.memory_space<hbm>> -> memref<256x16xi32, #tpu.memory_space<hbm>>
      %dma_wait3A_25 = arith.constant 0 : i32
      %dma_wait3A_26 = tpu.memref_slice %arg6[%mul3A_2, %dma_wait3A_25] : memref<8192x16xi32, #tpu.memory_space<hbm>> -> memref<256x16xi32, #tpu.memory_space<hbm>>
      tpu.wait_dma2 semaphore(%run_scoped3A : memref<!tpu.dma_semaphore, #tpu.memory_space<semaphore_mem>>) src(%arg10 : memref<256x16xi32, #tpu.memory_space<vmem>>) dst(%dma_wait3A_26 : memref<256x16xi32, #tpu.memory_space<hbm>>)
      tpu.yield
    }) : () -> ()
    "tpu.region"() ({
      %run_scoped3A = tpu.sem_alloc : memref<!tpu.dma_semaphore, #tpu.memory_space<semaphore_mem>>
      %dma_start3A_19 = arith.constant 0 : i32
      %dma_start3A_20 = tpu.memref_slice %arg7[%mul3A_2, %dma_start3A_19] : memref<8192x16xf32, #tpu.memory_space<hbm>> -> memref<256x16xf32, #tpu.memory_space<hbm>>
      %dma_start3A_21 = arith.constant 0 : i32
      %dma_start3A_22 = tpu.memref_slice %arg7[%mul3A_2, %dma_start3A_21] : memref<8192x16xf32, #tpu.memory_space<hbm>> -> memref<256x16xf32, #tpu.memory_space<hbm>>
      tpu.enqueue_dma source(%arg11 : memref<256x16xf32, #tpu.memory_space<vmem>>) target(%dma_start3A_22 : memref<256x16xf32, #tpu.memory_space<hbm>>) target_semaphore(%run_scoped3A : memref<!tpu.dma_semaphore, #tpu.memory_space<semaphore_mem>>)
      %dma_wait3A_23 = arith.constant 0 : i32
      %dma_wait3A_24 = tpu.memref_slice %arg7[%mul3A_2, %dma_wait3A_23] : memref<8192x16xf32, #tpu.memory_space<hbm>> -> memref<256x16xf32, #tpu.memory_space<hbm>>
      %dma_wait3A_25 = arith.constant 0 : i32
      %dma_wait3A_26 = tpu.memref_slice %arg7[%mul3A_2, %dma_wait3A_25] : memref<8192x16xf32, #tpu.memory_space<hbm>> -> memref<256x16xf32, #tpu.memory_space<hbm>>
      tpu.wait_dma2 semaphore(%run_scoped3A : memref<!tpu.dma_semaphore, #tpu.memory_space<semaphore_mem>>) src(%arg11 : memref<256x16xf32, #tpu.memory_space<vmem>>) dst(%dma_wait3A_26 : memref<256x16xf32, #tpu.memory_space<hbm>>)
      tpu.yield
    }) : () -> ()
    "tpu.region"() ({
      %run_scoped3A = tpu.sem_alloc : memref<!tpu.dma_semaphore, #tpu.memory_space<semaphore_mem>>
      %dma_start3A_19 = arith.constant 0 : i32
      %dma_start3A_20 = tpu.memref_slice %arg8[%mul3A_2, %dma_start3A_19] : memref<8192x128xf32, #tpu.memory_space<hbm>> -> memref<256x128xf32, #tpu.memory_space<hbm>>
      %dma_start3A_21 = arith.constant 0 : i32
      %dma_start3A_22 = tpu.memref_slice %arg8[%mul3A_2, %dma_start3A_21] : memref<8192x128xf32, #tpu.memory_space<hbm>> -> memref<256x128xf32, #tpu.memory_space<hbm>>
      tpu.enqueue_dma source(%arg12 : memref<256x128xf32, #tpu.memory_space<vmem>>) target(%dma_start3A_22 : memref<256x128xf32, #tpu.memory_space<hbm>>) target_semaphore(%run_scoped3A : memref<!tpu.dma_semaphore, #tpu.memory_space<semaphore_mem>>)
      %dma_wait3A_23 = arith.constant 0 : i32
      %dma_wait3A_24 = tpu.memref_slice %arg8[%mul3A_2, %dma_wait3A_23] : memref<8192x128xf32, #tpu.memory_space<hbm>> -> memref<256x128xf32, #tpu.memory_space<hbm>>
      %dma_wait3A_25 = arith.constant 0 : i32
      %dma_wait3A_26 = tpu.memref_slice %arg8[%mul3A_2, %dma_wait3A_25] : memref<8192x128xf32, #tpu.memory_space<hbm>> -> memref<256x128xf32, #tpu.memory_space<hbm>>
      tpu.wait_dma2 semaphore(%run_scoped3A : memref<!tpu.dma_semaphore, #tpu.memory_space<semaphore_mem>>) src(%arg12 : memref<256x128xf32, #tpu.memory_space<vmem>>) dst(%dma_wait3A_26 : memref<256x128xf32, #tpu.memory_space<hbm>>)
      tpu.yield
    }) : () -> ()
    return
  }
}

#map = affine_map<(d0, d1) -> (0, 0)>
#map1 = affine_map<(d0, d1) -> (0)>
module attributes {stable_mosaic.version = 14 : i64} {
  func.func @k(%arg0: i32, %arg1: i32, %arg2: memref<100000x16xi32, #tpu.memory_space<hbm>>, %arg3: memref<100000x16xf32, #tpu.memory_space<hbm>>, %arg4: memref<100000x128xf32, #tpu.memory_space<hbm>>, %arg5: memref<512xi32, #tpu.memory_space<hbm>>, %arg6: memref<512x16xi32, #tpu.memory_space<hbm>>, %arg7: memref<512x16xf32, #tpu.memory_space<hbm>>, %arg8: memref<512x128xf32, #tpu.memory_space<hbm>>, %arg9: memref<16xi32, #tpu.memory_space<vmem>>, %arg10: memref<16x16xi32, #tpu.memory_space<vmem>>, %arg11: memref<16x16xf32, #tpu.memory_space<vmem>>, %arg12: memref<16x128xf32, #tpu.memory_space<vmem>>, %arg13: memref<!tpu.dma_semaphore, #tpu.memory_space<semaphore_mem>>, %arg14: memref<!tpu.dma_semaphore, #tpu.memory_space<semaphore_mem>>, %arg15: memref<!tpu.dma_semaphore, #tpu.memory_space<semaphore_mem>>) attributes {dimension_semantics = [#tpu.dimension_semantics<core_parallel>, #tpu.dimension_semantics<subcore_parallel>], iteration_bounds = array<i64: 2, 16>, scalar_prefetch = 0 : i64, scratch_operands = 7 : i64, tpu.core_type = #tpu.core_type<sc_vector_subcore>, window_params = [{transform_indices = #map}, {transform_indices = #map}, {transform_indices = #map}, {transform_indices = #map1}, {transform_indices = #map}, {transform_indices = #map}, {transform_indices = #map}]} {
    %mul3A = arith.constant 2 : i32
    %mul3A_0 = arith.muli %arg1, %mul3A : i32
    %add3A = arith.addi %mul3A_0, %arg0 : i32
    %mul3A_1 = arith.constant 16 : i32
    %mul3A_2 = arith.muli %add3A, %mul3A_1 : i32
    "tpu.region"() ({
      %run_scoped3A = tpu.sem_alloc : memref<!tpu.dma_semaphore, #tpu.memory_space<semaphore_mem>>
      %dma_start3A_19 = tpu.memref_slice %arg5[%mul3A_2] : memref<512xi32, #tpu.memory_space<hbm>> -> memref<16xi32, #tpu.memory_space<hbm>>
      %dma_start3A_20 = tpu.memref_slice %arg5[%mul3A_2] : memref<512xi32, #tpu.memory_space<hbm>> -> memref<16xi32, #tpu.memory_space<hbm>>
      tpu.enqueue_dma source(%dma_start3A_20 : memref<16xi32, #tpu.memory_space<hbm>>) target(%arg9 : memref<16xi32, #tpu.memory_space<vmem>>) target_semaphore(%run_scoped3A : memref<!tpu.dma_semaphore, #tpu.memory_space<semaphore_mem>>)
      %dma_wait3A_21 = tpu.memref_slice %arg5[%mul3A_2] : memref<512xi32, #tpu.memory_space<hbm>> -> memref<16xi32, #tpu.memory_space<hbm>>
      %dma_wait3A_22 = tpu.memref_slice %arg5[%mul3A_2] : memref<512xi32, #tpu.memory_space<hbm>> -> memref<16xi32, #tpu.memory_space<hbm>>
      tpu.wait_dma2 semaphore(%run_scoped3A : memref<!tpu.dma_semaphore, #tpu.memory_space<semaphore_mem>>) src(%dma_wait3A_22 : memref<16xi32, #tpu.memory_space<hbm>>) dst(%arg9 : memref<16xi32, #tpu.memory_space<vmem>>)
      tpu.yield
    }) : () -> ()
    %dma_start3A = arith.constant 0 : i32
    %dma_start3A_3 = arith.constant 0 : i32
    %dma_start3A_4 = tpu.memref_slice %arg2[%dma_start3A, %dma_start3A_3] : memref<100000x16xi32, #tpu.memory_space<hbm>> -> memref<100000x16xi32, #tpu.memory_space<hbm>>
    tpu.enqueue_indirect_dma source(%dma_start3A_4 : memref<100000x16xi32, #tpu.memory_space<hbm>>) target(%arg10 : memref<16x16xi32, #tpu.memory_space<vmem>>) offsets(%arg9 : memref<16xi32, #tpu.memory_space<vmem>>) semaphore(%arg13 : memref<!tpu.dma_semaphore, #tpu.memory_space<semaphore_mem>>)
    %dma_start3A_5 = arith.constant 0 : i32
    %dma_start3A_6 = arith.constant 0 : i32
    %dma_start3A_7 = tpu.memref_slice %arg3[%dma_start3A_5, %dma_start3A_6] : memref<100000x16xf32, #tpu.memory_space<hbm>> -> memref<100000x16xf32, #tpu.memory_space<hbm>>
    tpu.enqueue_indirect_dma source(%dma_start3A_7 : memref<100000x16xf32, #tpu.memory_space<hbm>>) target(%arg11 : memref<16x16xf32, #tpu.memory_space<vmem>>) offsets(%arg9 : memref<16xi32, #tpu.memory_space<vmem>>) semaphore(%arg14 : memref<!tpu.dma_semaphore, #tpu.memory_space<semaphore_mem>>)
    %dma_start3A_8 = arith.constant 0 : i32
    %dma_start3A_9 = arith.constant 0 : i32
    %dma_start3A_10 = tpu.memref_slice %arg4[%dma_start3A_8, %dma_start3A_9] : memref<100000x128xf32, #tpu.memory_space<hbm>> -> memref<100000x128xf32, #tpu.memory_space<hbm>>
    tpu.enqueue_indirect_dma source(%dma_start3A_10 : memref<100000x128xf32, #tpu.memory_space<hbm>>) target(%arg12 : memref<16x128xf32, #tpu.memory_space<vmem>>) offsets(%arg9 : memref<16xi32, #tpu.memory_space<vmem>>) semaphore(%arg15 : memref<!tpu.dma_semaphore, #tpu.memory_space<semaphore_mem>>)
    %dma_wait3A = arith.constant 0 : i32
    %dma_wait3A_11 = arith.constant 0 : i32
    %dma_wait3A_12 = tpu.memref_slice %arg2[%dma_wait3A, %dma_wait3A_11] : memref<100000x16xi32, #tpu.memory_space<hbm>> -> memref<100000x16xi32, #tpu.memory_space<hbm>>
    tpu.wait_indirect_dma semaphore(%arg13 : memref<!tpu.dma_semaphore, #tpu.memory_space<semaphore_mem>>) src(%dma_wait3A_12 : memref<100000x16xi32, #tpu.memory_space<hbm>>) dst(%arg10 : memref<16x16xi32, #tpu.memory_space<vmem>>)
    %dma_wait3A_13 = arith.constant 0 : i32
    %dma_wait3A_14 = arith.constant 0 : i32
    %dma_wait3A_15 = tpu.memref_slice %arg3[%dma_wait3A_13, %dma_wait3A_14] : memref<100000x16xf32, #tpu.memory_space<hbm>> -> memref<100000x16xf32, #tpu.memory_space<hbm>>
    tpu.wait_indirect_dma semaphore(%arg14 : memref<!tpu.dma_semaphore, #tpu.memory_space<semaphore_mem>>) src(%dma_wait3A_15 : memref<100000x16xf32, #tpu.memory_space<hbm>>) dst(%arg11 : memref<16x16xf32, #tpu.memory_space<vmem>>)
    %dma_wait3A_16 = arith.constant 0 : i32
    %dma_wait3A_17 = arith.constant 0 : i32
    %dma_wait3A_18 = tpu.memref_slice %arg4[%dma_wait3A_16, %dma_wait3A_17] : memref<100000x128xf32, #tpu.memory_space<hbm>> -> memref<100000x128xf32, #tpu.memory_space<hbm>>
    tpu.wait_indirect_dma semaphore(%arg15 : memref<!tpu.dma_semaphore, #tpu.memory_space<semaphore_mem>>) src(%dma_wait3A_18 : memref<100000x128xf32, #tpu.memory_space<hbm>>) dst(%arg12 : memref<16x128xf32, #tpu.memory_space<vmem>>)
    "tpu.region"() ({
      %run_scoped3A = tpu.sem_alloc : memref<!tpu.dma_semaphore, #tpu.memory_space<semaphore_mem>>
      %dma_start3A_19 = arith.constant 0 : i32
      %dma_start3A_20 = tpu.memref_slice %arg6[%mul3A_2, %dma_start3A_19] : memref<512x16xi32, #tpu.memory_space<hbm>> -> memref<16x16xi32, #tpu.memory_space<hbm>>
      %dma_start3A_21 = arith.constant 0 : i32
      %dma_start3A_22 = tpu.memref_slice %arg6[%mul3A_2, %dma_start3A_21] : memref<512x16xi32, #tpu.memory_space<hbm>> -> memref<16x16xi32, #tpu.memory_space<hbm>>
      tpu.enqueue_dma source(%arg10 : memref<16x16xi32, #tpu.memory_space<vmem>>) target(%dma_start3A_22 : memref<16x16xi32, #tpu.memory_space<hbm>>) target_semaphore(%run_scoped3A : memref<!tpu.dma_semaphore, #tpu.memory_space<semaphore_mem>>)
      %dma_wait3A_23 = arith.constant 0 : i32
      %dma_wait3A_24 = tpu.memref_slice %arg6[%mul3A_2, %dma_wait3A_23] : memref<512x16xi32, #tpu.memory_space<hbm>> -> memref<16x16xi32, #tpu.memory_space<hbm>>
      %dma_wait3A_25 = arith.constant 0 : i32
      %dma_wait3A_26 = tpu.memref_slice %arg6[%mul3A_2, %dma_wait3A_25] : memref<512x16xi32, #tpu.memory_space<hbm>> -> memref<16x16xi32, #tpu.memory_space<hbm>>
      tpu.wait_dma2 semaphore(%run_scoped3A : memref<!tpu.dma_semaphore, #tpu.memory_space<semaphore_mem>>) src(%arg10 : memref<16x16xi32, #tpu.memory_space<vmem>>) dst(%dma_wait3A_26 : memref<16x16xi32, #tpu.memory_space<hbm>>)
      tpu.yield
    }) : () -> ()
    "tpu.region"() ({
      %run_scoped3A = tpu.sem_alloc : memref<!tpu.dma_semaphore, #tpu.memory_space<semaphore_mem>>
      %dma_start3A_19 = arith.constant 0 : i32
      %dma_start3A_20 = tpu.memref_slice %arg7[%mul3A_2, %dma_start3A_19] : memref<512x16xf32, #tpu.memory_space<hbm>> -> memref<16x16xf32, #tpu.memory_space<hbm>>
      %dma_start3A_21 = arith.constant 0 : i32
      %dma_start3A_22 = tpu.memref_slice %arg7[%mul3A_2, %dma_start3A_21] : memref<512x16xf32, #tpu.memory_space<hbm>> -> memref<16x16xf32, #tpu.memory_space<hbm>>
      tpu.enqueue_dma source(%arg11 : memref<16x16xf32, #tpu.memory_space<vmem>>) target(%dma_start3A_22 : memref<16x16xf32, #tpu.memory_space<hbm>>) target_semaphore(%run_scoped3A : memref<!tpu.dma_semaphore, #tpu.memory_space<semaphore_mem>>)
      %dma_wait3A_23 = arith.constant 0 : i32
      %dma_wait3A_24 = tpu.memref_slice %arg7[%mul3A_2, %dma_wait3A_23] : memref<512x16xf32, #tpu.memory_space<hbm>> -> memref<16x16xf32, #tpu.memory_space<hbm>>
      %dma_wait3A_25 = arith.constant 0 : i32
      %dma_wait3A_26 = tpu.memref_slice %arg7[%mul3A_2, %dma_wait3A_25] : memref<512x16xf32, #tpu.memory_space<hbm>> -> memref<16x16xf32, #tpu.memory_space<hbm>>
      tpu.wait_dma2 semaphore(%run_scoped3A : memref<!tpu.dma_semaphore, #tpu.memory_space<semaphore_mem>>) src(%arg11 : memref<16x16xf32, #tpu.memory_space<vmem>>) dst(%dma_wait3A_26 : memref<16x16xf32, #tpu.memory_space<hbm>>)
      tpu.yield
    }) : () -> ()
    "tpu.region"() ({
      %run_scoped3A = tpu.sem_alloc : memref<!tpu.dma_semaphore, #tpu.memory_space<semaphore_mem>>
      %dma_start3A_19 = arith.constant 0 : i32
      %dma_start3A_20 = tpu.memref_slice %arg8[%mul3A_2, %dma_start3A_19] : memref<512x128xf32, #tpu.memory_space<hbm>> -> memref<16x128xf32, #tpu.memory_space<hbm>>
      %dma_start3A_21 = arith.constant 0 : i32
      %dma_start3A_22 = tpu.memref_slice %arg8[%mul3A_2, %dma_start3A_21] : memref<512x128xf32, #tpu.memory_space<hbm>> -> memref<16x128xf32, #tpu.memory_space<hbm>>
      tpu.enqueue_dma source(%arg12 : memref<16x128xf32, #tpu.memory_space<vmem>>) target(%dma_start3A_22 : memref<16x128xf32, #tpu.memory_space<hbm>>) target_semaphore(%run_scoped3A : memref<!tpu.dma_semaphore, #tpu.memory_space<semaphore_mem>>)
      %dma_wait3A_23 = arith.constant 0 : i32
      %dma_wait3A_24 = tpu.memref_slice %arg8[%mul3A_2, %dma_wait3A_23] : memref<512x128xf32, #tpu.memory_space<hbm>> -> memref<16x128xf32, #tpu.memory_space<hbm>>
      %dma_wait3A_25 = arith.constant 0 : i32
      %dma_wait3A_26 = tpu.memref_slice %arg8[%mul3A_2, %dma_wait3A_25] : memref<512x128xf32, #tpu.memory_space<hbm>> -> memref<16x128xf32, #tpu.memory_space<hbm>>
      tpu.wait_dma2 semaphore(%run_scoped3A : memref<!tpu.dma_semaphore, #tpu.memory_space<semaphore_mem>>) src(%arg12 : memref<16x128xf32, #tpu.memory_space<vmem>>) dst(%dma_wait3A_26 : memref<16x128xf32, #tpu.memory_space<hbm>>)
      tpu.yield
    }) : () -> ()
    return
  }
}

#map = affine_map<(d0, d1) -> (0, 0)>
#map1 = affine_map<(d0, d1) -> (0)>
module attributes {stable_mosaic.version = 14 : i64} {
  func.func @k(%arg0: i32, %arg1: i32, %arg2: memref<100000x128xf32, #tpu.memory_space<hbm>>, %arg3: memref<131072xi32, #tpu.memory_space<hbm>>, %arg4: memref<131072x128xf32, #tpu.memory_space<hbm>>, %arg5: memref<512xi32, #tpu.memory_space<vmem>>, %arg6: memref<512x128xf32, #tpu.memory_space<vmem>>, %arg7: memref<!tpu.dma_semaphore, #tpu.memory_space<semaphore_mem>>) attributes {dimension_semantics = [#tpu.dimension_semantics<core_parallel>, #tpu.dimension_semantics<subcore_parallel>], iteration_bounds = array<i64: 2, 16>, scalar_prefetch = 0 : i64, scratch_operands = 3 : i64, tpu.core_type = #tpu.core_type<sc_vector_subcore>, window_params = [{transform_indices = #map}, {transform_indices = #map1}, {transform_indices = #map}]} {
    %mul3A = arith.constant 2 : i32
    %mul3A_0 = arith.muli %arg1, %mul3A : i32
    %add3A = arith.addi %mul3A_0, %arg0 : i32
    %mul3A_1 = arith.constant 4096 : i32
    %mul3A_2 = arith.muli %add3A, %mul3A_1 : i32
    %add3A_3 = arith.constant 0 : i32
    %add3A_4 = arith.addi %mul3A_2, %add3A_3 : i32
    "tpu.region"() ({
      %run_scoped3A = tpu.sem_alloc : memref<!tpu.dma_semaphore, #tpu.memory_space<semaphore_mem>>
      %dma_start3A_65 = tpu.memref_slice %arg3[%add3A_4] : memref<131072xi32, #tpu.memory_space<hbm>> -> memref<512xi32, #tpu.memory_space<hbm>>
      %dma_start3A_66 = tpu.memref_slice %arg3[%add3A_4] : memref<131072xi32, #tpu.memory_space<hbm>> -> memref<512xi32, #tpu.memory_space<hbm>>
      tpu.enqueue_dma source(%dma_start3A_66 : memref<512xi32, #tpu.memory_space<hbm>>) target(%arg5 : memref<512xi32, #tpu.memory_space<vmem>>) target_semaphore(%run_scoped3A : memref<!tpu.dma_semaphore, #tpu.memory_space<semaphore_mem>>)
      %dma_wait3A_67 = tpu.memref_slice %arg3[%add3A_4] : memref<131072xi32, #tpu.memory_space<hbm>> -> memref<512xi32, #tpu.memory_space<hbm>>
      %dma_wait3A_68 = tpu.memref_slice %arg3[%add3A_4] : memref<131072xi32, #tpu.memory_space<hbm>> -> memref<512xi32, #tpu.memory_space<hbm>>
      tpu.wait_dma2 semaphore(%run_scoped3A : memref<!tpu.dma_semaphore, #tpu.memory_space<semaphore_mem>>) src(%dma_wait3A_68 : memref<512xi32, #tpu.memory_space<hbm>>) dst(%arg5 : memref<512xi32, #tpu.memory_space<vmem>>)
      tpu.yield
    }) : () -> ()
    %dma_start3A = arith.constant 0 : i32
    %dma_start3A_5 = arith.constant 0 : i32
    %dma_start3A_6 = tpu.memref_slice %arg2[%dma_start3A, %dma_start3A_5] : memref<100000x128xf32, #tpu.memory_space<hbm>> -> memref<100000x128xf32, #tpu.memory_space<hbm>>
    tpu.enqueue_indirect_dma source(%dma_start3A_6 : memref<100000x128xf32, #tpu.memory_space<hbm>>) target(%arg6 : memref<512x128xf32, #tpu.memory_space<vmem>>) offsets(%arg5 : memref<512xi32, #tpu.memory_space<vmem>>) semaphore(%arg7 : memref<!tpu.dma_semaphore, #tpu.memory_space<semaphore_mem>>)
    %dma_wait3A = arith.constant 0 : i32
    %dma_wait3A_7 = arith.constant 0 : i32
    %dma_wait3A_8 = tpu.memref_slice %arg2[%dma_wait3A, %dma_wait3A_7] : memref<100000x128xf32, #tpu.memory_space<hbm>> -> memref<100000x128xf32, #tpu.memory_space<hbm>>
    tpu.wait_indirect_dma semaphore(%arg7 : memref<!tpu.dma_semaphore, #tpu.memory_space<semaphore_mem>>) src(%dma_wait3A_8 : memref<100000x128xf32, #tpu.memory_space<hbm>>) dst(%arg6 : memref<512x128xf32, #tpu.memory_space<vmem>>)
    "tpu.region"() ({
      %run_scoped3A = tpu.sem_alloc : memref<!tpu.dma_semaphore, #tpu.memory_space<semaphore_mem>>
      %dma_start3A_65 = arith.constant 0 : i32
      %dma_start3A_66 = tpu.memref_slice %arg4[%add3A_4, %dma_start3A_65] : memref<131072x128xf32, #tpu.memory_space<hbm>> -> memref<512x128xf32, #tpu.memory_space<hbm>>
      %dma_start3A_67 = arith.constant 0 : i32
      %dma_start3A_68 = tpu.memref_slice %arg4[%add3A_4, %dma_start3A_67] : memref<131072x128xf32, #tpu.memory_space<hbm>> -> memref<512x128xf32, #tpu.memory_space<hbm>>
      tpu.enqueue_dma source(%arg6 : memref<512x128xf32, #tpu.memory_space<vmem>>) target(%dma_start3A_68 : memref<512x128xf32, #tpu.memory_space<hbm>>) target_semaphore(%run_scoped3A : memref<!tpu.dma_semaphore, #tpu.memory_space<semaphore_mem>>)
      %dma_wait3A_69 = arith.constant 0 : i32
      %dma_wait3A_70 = tpu.memref_slice %arg4[%add3A_4, %dma_wait3A_69] : memref<131072x128xf32, #tpu.memory_space<hbm>> -> memref<512x128xf32, #tpu.memory_space<hbm>>
      %dma_wait3A_71 = arith.constant 0 : i32
      %dma_wait3A_72 = tpu.memref_slice %arg4[%add3A_4, %dma_wait3A_71] : memref<131072x128xf32, #tpu.memory_space<hbm>> -> memref<512x128xf32, #tpu.memory_space<hbm>>
      tpu.wait_dma2 semaphore(%run_scoped3A : memref<!tpu.dma_semaphore, #tpu.memory_space<semaphore_mem>>) src(%arg6 : memref<512x128xf32, #tpu.memory_space<vmem>>) dst(%dma_wait3A_72 : memref<512x128xf32, #tpu.memory_space<hbm>>)
      tpu.yield
    }) : () -> ()
    %add3A_9 = arith.constant 512 : i32
    %add3A_10 = arith.addi %mul3A_2, %add3A_9 : i32
    "tpu.region"() ({
      %run_scoped3A = tpu.sem_alloc : memref<!tpu.dma_semaphore, #tpu.memory_space<semaphore_mem>>
      %dma_start3A_65 = tpu.memref_slice %arg3[%add3A_10] : memref<131072xi32, #tpu.memory_space<hbm>> -> memref<512xi32, #tpu.memory_space<hbm>>
      %dma_start3A_66 = tpu.memref_slice %arg3[%add3A_10] : memref<131072xi32, #tpu.memory_space<hbm>> -> memref<512xi32, #tpu.memory_space<hbm>>
      tpu.enqueue_dma source(%dma_start3A_66 : memref<512xi32, #tpu.memory_space<hbm>>) target(%arg5 : memref<512xi32, #tpu.memory_space<vmem>>) target_semaphore(%run_scoped3A : memref<!tpu.dma_semaphore, #tpu.memory_space<semaphore_mem>>)
      %dma_wait3A_67 = tpu.memref_slice %arg3[%add3A_10] : memref<131072xi32, #tpu.memory_space<hbm>> -> memref<512xi32, #tpu.memory_space<hbm>>
      %dma_wait3A_68 = tpu.memref_slice %arg3[%add3A_10] : memref<131072xi32, #tpu.memory_space<hbm>> -> memref<512xi32, #tpu.memory_space<hbm>>
      tpu.wait_dma2 semaphore(%run_scoped3A : memref<!tpu.dma_semaphore, #tpu.memory_space<semaphore_mem>>) src(%dma_wait3A_68 : memref<512xi32, #tpu.memory_space<hbm>>) dst(%arg5 : memref<512xi32, #tpu.memory_space<vmem>>)
      tpu.yield
    }) : () -> ()
    %dma_start3A_11 = arith.constant 0 : i32
    %dma_start3A_12 = arith.constant 0 : i32
    %dma_start3A_13 = tpu.memref_slice %arg2[%dma_start3A_11, %dma_start3A_12] : memref<100000x128xf32, #tpu.memory_space<hbm>> -> memref<100000x128xf32, #tpu.memory_space<hbm>>
    tpu.enqueue_indirect_dma source(%dma_start3A_13 : memref<100000x128xf32, #tpu.memory_space<hbm>>) target(%arg6 : memref<512x128xf32, #tpu.memory_space<vmem>>) offsets(%arg5 : memref<512xi32, #tpu.memory_space<vmem>>) semaphore(%arg7 : memref<!tpu.dma_semaphore, #tpu.memory_space<semaphore_mem>>)
    %dma_wait3A_14 = arith.constant 0 : i32
    %dma_wait3A_15 = arith.constant 0 : i32
    %dma_wait3A_16 = tpu.memref_slice %arg2[%dma_wait3A_14, %dma_wait3A_15] : memref<100000x128xf32, #tpu.memory_space<hbm>> -> memref<100000x128xf32, #tpu.memory_space<hbm>>
    tpu.wait_indirect_dma semaphore(%arg7 : memref<!tpu.dma_semaphore, #tpu.memory_space<semaphore_mem>>) src(%dma_wait3A_16 : memref<100000x128xf32, #tpu.memory_space<hbm>>) dst(%arg6 : memref<512x128xf32, #tpu.memory_space<vmem>>)
    "tpu.region"() ({
      %run_scoped3A = tpu.sem_alloc : memref<!tpu.dma_semaphore, #tpu.memory_space<semaphore_mem>>
      %dma_start3A_65 = arith.constant 0 : i32
      %dma_start3A_66 = tpu.memref_slice %arg4[%add3A_10, %dma_start3A_65] : memref<131072x128xf32, #tpu.memory_space<hbm>> -> memref<512x128xf32, #tpu.memory_space<hbm>>
      %dma_start3A_67 = arith.constant 0 : i32
      %dma_start3A_68 = tpu.memref_slice %arg4[%add3A_10, %dma_start3A_67] : memref<131072x128xf32, #tpu.memory_space<hbm>> -> memref<512x128xf32, #tpu.memory_space<hbm>>
      tpu.enqueue_dma source(%arg6 : memref<512x128xf32, #tpu.memory_space<vmem>>) target(%dma_start3A_68 : memref<512x128xf32, #tpu.memory_space<hbm>>) target_semaphore(%run_scoped3A : memref<!tpu.dma_semaphore, #tpu.memory_space<semaphore_mem>>)
      %dma_wait3A_69 = arith.constant 0 : i32
      %dma_wait3A_70 = tpu.memref_slice %arg4[%add3A_10, %dma_wait3A_69] : memref<131072x128xf32, #tpu.memory_space<hbm>> -> memref<512x128xf32, #tpu.memory_space<hbm>>
      %dma_wait3A_71 = arith.constant 0 : i32
      %dma_wait3A_72 = tpu.memref_slice %arg4[%add3A_10, %dma_wait3A_71] : memref<131072x128xf32, #tpu.memory_space<hbm>> -> memref<512x128xf32, #tpu.memory_space<hbm>>
      tpu.wait_dma2 semaphore(%run_scoped3A : memref<!tpu.dma_semaphore, #tpu.memory_space<semaphore_mem>>) src(%arg6 : memref<512x128xf32, #tpu.memory_space<vmem>>) dst(%dma_wait3A_72 : memref<512x128xf32, #tpu.memory_space<hbm>>)
      tpu.yield
    }) : () -> ()
    %add3A_17 = arith.constant 1024 : i32
    %add3A_18 = arith.addi %mul3A_2, %add3A_17 : i32
    "tpu.region"() ({
      %run_scoped3A = tpu.sem_alloc : memref<!tpu.dma_semaphore, #tpu.memory_space<semaphore_mem>>
      %dma_start3A_65 = tpu.memref_slice %arg3[%add3A_18] : memref<131072xi32, #tpu.memory_space<hbm>> -> memref<512xi32, #tpu.memory_space<hbm>>
      %dma_start3A_66 = tpu.memref_slice %arg3[%add3A_18] : memref<131072xi32, #tpu.memory_space<hbm>> -> memref<512xi32, #tpu.memory_space<hbm>>
      tpu.enqueue_dma source(%dma_start3A_66 : memref<512xi32, #tpu.memory_space<hbm>>) target(%arg5 : memref<512xi32, #tpu.memory_space<vmem>>) target_semaphore(%run_scoped3A : memref<!tpu.dma_semaphore, #tpu.memory_space<semaphore_mem>>)
      %dma_wait3A_67 = tpu.memref_slice %arg3[%add3A_18] : memref<131072xi32, #tpu.memory_space<hbm>> -> memref<512xi32, #tpu.memory_space<hbm>>
      %dma_wait3A_68 = tpu.memref_slice %arg3[%add3A_18] : memref<131072xi32, #tpu.memory_space<hbm>> -> memref<512xi32, #tpu.memory_space<hbm>>
      tpu.wait_dma2 semaphore(%run_scoped3A : memref<!tpu.dma_semaphore, #tpu.memory_space<semaphore_mem>>) src(%dma_wait3A_68 : memref<512xi32, #tpu.memory_space<hbm>>) dst(%arg5 : memref<512xi32, #tpu.memory_space<vmem>>)
      tpu.yield
    }) : () -> ()
    %dma_start3A_19 = arith.constant 0 : i32
    %dma_start3A_20 = arith.constant 0 : i32
    %dma_start3A_21 = tpu.memref_slice %arg2[%dma_start3A_19, %dma_start3A_20] : memref<100000x128xf32, #tpu.memory_space<hbm>> -> memref<100000x128xf32, #tpu.memory_space<hbm>>
    tpu.enqueue_indirect_dma source(%dma_start3A_21 : memref<100000x128xf32, #tpu.memory_space<hbm>>) target(%arg6 : memref<512x128xf32, #tpu.memory_space<vmem>>) offsets(%arg5 : memref<512xi32, #tpu.memory_space<vmem>>) semaphore(%arg7 : memref<!tpu.dma_semaphore, #tpu.memory_space<semaphore_mem>>)
    %dma_wait3A_22 = arith.constant 0 : i32
    %dma_wait3A_23 = arith.constant 0 : i32
    %dma_wait3A_24 = tpu.memref_slice %arg2[%dma_wait3A_22, %dma_wait3A_23] : memref<100000x128xf32, #tpu.memory_space<hbm>> -> memref<100000x128xf32, #tpu.memory_space<hbm>>
    tpu.wait_indirect_dma semaphore(%arg7 : memref<!tpu.dma_semaphore, #tpu.memory_space<semaphore_mem>>) src(%dma_wait3A_24 : memref<100000x128xf32, #tpu.memory_space<hbm>>) dst(%arg6 : memref<512x128xf32, #tpu.memory_space<vmem>>)
    "tpu.region"() ({
      %run_scoped3A = tpu.sem_alloc : memref<!tpu.dma_semaphore, #tpu.memory_space<semaphore_mem>>
      %dma_start3A_65 = arith.constant 0 : i32
      %dma_start3A_66 = tpu.memref_slice %arg4[%add3A_18, %dma_start3A_65] : memref<131072x128xf32, #tpu.memory_space<hbm>> -> memref<512x128xf32, #tpu.memory_space<hbm>>
      %dma_start3A_67 = arith.constant 0 : i32
      %dma_start3A_68 = tpu.memref_slice %arg4[%add3A_18, %dma_start3A_67] : memref<131072x128xf32, #tpu.memory_space<hbm>> -> memref<512x128xf32, #tpu.memory_space<hbm>>
      tpu.enqueue_dma source(%arg6 : memref<512x128xf32, #tpu.memory_space<vmem>>) target(%dma_start3A_68 : memref<512x128xf32, #tpu.memory_space<hbm>>) target_semaphore(%run_scoped3A : memref<!tpu.dma_semaphore, #tpu.memory_space<semaphore_mem>>)
      %dma_wait3A_69 = arith.constant 0 : i32
      %dma_wait3A_70 = tpu.memref_slice %arg4[%add3A_18, %dma_wait3A_69] : memref<131072x128xf32, #tpu.memory_space<hbm>> -> memref<512x128xf32, #tpu.memory_space<hbm>>
      %dma_wait3A_71 = arith.constant 0 : i32
      %dma_wait3A_72 = tpu.memref_slice %arg4[%add3A_18, %dma_wait3A_71] : memref<131072x128xf32, #tpu.memory_space<hbm>> -> memref<512x128xf32, #tpu.memory_space<hbm>>
      tpu.wait_dma2 semaphore(%run_scoped3A : memref<!tpu.dma_semaphore, #tpu.memory_space<semaphore_mem>>) src(%arg6 : memref<512x128xf32, #tpu.memory_space<vmem>>) dst(%dma_wait3A_72 : memref<512x128xf32, #tpu.memory_space<hbm>>)
      tpu.yield
    }) : () -> ()
    %add3A_25 = arith.constant 1536 : i32
    %add3A_26 = arith.addi %mul3A_2, %add3A_25 : i32
    "tpu.region"() ({
      %run_scoped3A = tpu.sem_alloc : memref<!tpu.dma_semaphore, #tpu.memory_space<semaphore_mem>>
      %dma_start3A_65 = tpu.memref_slice %arg3[%add3A_26] : memref<131072xi32, #tpu.memory_space<hbm>> -> memref<512xi32, #tpu.memory_space<hbm>>
      %dma_start3A_66 = tpu.memref_slice %arg3[%add3A_26] : memref<131072xi32, #tpu.memory_space<hbm>> -> memref<512xi32, #tpu.memory_space<hbm>>
      tpu.enqueue_dma source(%dma_start3A_66 : memref<512xi32, #tpu.memory_space<hbm>>) target(%arg5 : memref<512xi32, #tpu.memory_space<vmem>>) target_semaphore(%run_scoped3A : memref<!tpu.dma_semaphore, #tpu.memory_space<semaphore_mem>>)
      %dma_wait3A_67 = tpu.memref_slice %arg3[%add3A_26] : memref<131072xi32, #tpu.memory_space<hbm>> -> memref<512xi32, #tpu.memory_space<hbm>>
      %dma_wait3A_68 = tpu.memref_slice %arg3[%add3A_26] : memref<131072xi32, #tpu.memory_space<hbm>> -> memref<512xi32, #tpu.memory_space<hbm>>
      tpu.wait_dma2 semaphore(%run_scoped3A : memref<!tpu.dma_semaphore, #tpu.memory_space<semaphore_mem>>) src(%dma_wait3A_68 : memref<512xi32, #tpu.memory_space<hbm>>) dst(%arg5 : memref<512xi32, #tpu.memory_space<vmem>>)
      tpu.yield
    }) : () -> ()
    %dma_start3A_27 = arith.constant 0 : i32
    %dma_start3A_28 = arith.constant 0 : i32
    %dma_start3A_29 = tpu.memref_slice %arg2[%dma_start3A_27, %dma_start3A_28] : memref<100000x128xf32, #tpu.memory_space<hbm>> -> memref<100000x128xf32, #tpu.memory_space<hbm>>
    tpu.enqueue_indirect_dma source(%dma_start3A_29 : memref<100000x128xf32, #tpu.memory_space<hbm>>) target(%arg6 : memref<512x128xf32, #tpu.memory_space<vmem>>) offsets(%arg5 : memref<512xi32, #tpu.memory_space<vmem>>) semaphore(%arg7 : memref<!tpu.dma_semaphore, #tpu.memory_space<semaphore_mem>>)
    %dma_wait3A_30 = arith.constant 0 : i32
    %dma_wait3A_31 = arith.constant 0 : i32
    %dma_wait3A_32 = tpu.memref_slice %arg2[%dma_wait3A_30, %dma_wait3A_31] : memref<100000x128xf32, #tpu.memory_space<hbm>> -> memref<100000x128xf32, #tpu.memory_space<hbm>>
    tpu.wait_indirect_dma semaphore(%arg7 : memref<!tpu.dma_semaphore, #tpu.memory_space<semaphore_mem>>) src(%dma_wait3A_32 : memref<100000x128xf32, #tpu.memory_space<hbm>>) dst(%arg6 : memref<512x128xf32, #tpu.memory_space<vmem>>)
    "tpu.region"() ({
      %run_scoped3A = tpu.sem_alloc : memref<!tpu.dma_semaphore, #tpu.memory_space<semaphore_mem>>
      %dma_start3A_65 = arith.constant 0 : i32
      %dma_start3A_66 = tpu.memref_slice %arg4[%add3A_26, %dma_start3A_65] : memref<131072x128xf32, #tpu.memory_space<hbm>> -> memref<512x128xf32, #tpu.memory_space<hbm>>
      %dma_start3A_67 = arith.constant 0 : i32
      %dma_start3A_68 = tpu.memref_slice %arg4[%add3A_26, %dma_start3A_67] : memref<131072x128xf32, #tpu.memory_space<hbm>> -> memref<512x128xf32, #tpu.memory_space<hbm>>
      tpu.enqueue_dma source(%arg6 : memref<512x128xf32, #tpu.memory_space<vmem>>) target(%dma_start3A_68 : memref<512x128xf32, #tpu.memory_space<hbm>>) target_semaphore(%run_scoped3A : memref<!tpu.dma_semaphore, #tpu.memory_space<semaphore_mem>>)
      %dma_wait3A_69 = arith.constant 0 : i32
      %dma_wait3A_70 = tpu.memref_slice %arg4[%add3A_26, %dma_wait3A_69] : memref<131072x128xf32, #tpu.memory_space<hbm>> -> memref<512x128xf32, #tpu.memory_space<hbm>>
      %dma_wait3A_71 = arith.constant 0 : i32
      %dma_wait3A_72 = tpu.memref_slice %arg4[%add3A_26, %dma_wait3A_71] : memref<131072x128xf32, #tpu.memory_space<hbm>> -> memref<512x128xf32, #tpu.memory_space<hbm>>
      tpu.wait_dma2 semaphore(%run_scoped3A : memref<!tpu.dma_semaphore, #tpu.memory_space<semaphore_mem>>) src(%arg6 : memref<512x128xf32, #tpu.memory_space<vmem>>) dst(%dma_wait3A_72 : memref<512x128xf32, #tpu.memory_space<hbm>>)
      tpu.yield
    }) : () -> ()
    %add3A_33 = arith.constant 2048 : i32
    %add3A_34 = arith.addi %mul3A_2, %add3A_33 : i32
    "tpu.region"() ({
      %run_scoped3A = tpu.sem_alloc : memref<!tpu.dma_semaphore, #tpu.memory_space<semaphore_mem>>
      %dma_start3A_65 = tpu.memref_slice %arg3[%add3A_34] : memref<131072xi32, #tpu.memory_space<hbm>> -> memref<512xi32, #tpu.memory_space<hbm>>
      %dma_start3A_66 = tpu.memref_slice %arg3[%add3A_34] : memref<131072xi32, #tpu.memory_space<hbm>> -> memref<512xi32, #tpu.memory_space<hbm>>
      tpu.enqueue_dma source(%dma_start3A_66 : memref<512xi32, #tpu.memory_space<hbm>>) target(%arg5 : memref<512xi32, #tpu.memory_space<vmem>>) target_semaphore(%run_scoped3A : memref<!tpu.dma_semaphore, #tpu.memory_space<semaphore_mem>>)
      %dma_wait3A_67 = tpu.memref_slice %arg3[%add3A_34] : memref<131072xi32, #tpu.memory_space<hbm>> -> memref<512xi32, #tpu.memory_space<hbm>>
      %dma_wait3A_68 = tpu.memref_slice %arg3[%add3A_34] : memref<131072xi32, #tpu.memory_space<hbm>> -> memref<512xi32, #tpu.memory_space<hbm>>
      tpu.wait_dma2 semaphore(%run_scoped3A : memref<!tpu.dma_semaphore, #tpu.memory_space<semaphore_mem>>) src(%dma_wait3A_68 : memref<512xi32, #tpu.memory_space<hbm>>) dst(%arg5 : memref<512xi32, #tpu.memory_space<vmem>>)
      tpu.yield
    }) : () -> ()
    %dma_start3A_35 = arith.constant 0 : i32
    %dma_start3A_36 = arith.constant 0 : i32
    %dma_start3A_37 = tpu.memref_slice %arg2[%dma_start3A_35, %dma_start3A_36] : memref<100000x128xf32, #tpu.memory_space<hbm>> -> memref<100000x128xf32, #tpu.memory_space<hbm>>
    tpu.enqueue_indirect_dma source(%dma_start3A_37 : memref<100000x128xf32, #tpu.memory_space<hbm>>) target(%arg6 : memref<512x128xf32, #tpu.memory_space<vmem>>) offsets(%arg5 : memref<512xi32, #tpu.memory_space<vmem>>) semaphore(%arg7 : memref<!tpu.dma_semaphore, #tpu.memory_space<semaphore_mem>>)
    %dma_wait3A_38 = arith.constant 0 : i32
    %dma_wait3A_39 = arith.constant 0 : i32
    %dma_wait3A_40 = tpu.memref_slice %arg2[%dma_wait3A_38, %dma_wait3A_39] : memref<100000x128xf32, #tpu.memory_space<hbm>> -> memref<100000x128xf32, #tpu.memory_space<hbm>>
    tpu.wait_indirect_dma semaphore(%arg7 : memref<!tpu.dma_semaphore, #tpu.memory_space<semaphore_mem>>) src(%dma_wait3A_40 : memref<100000x128xf32, #tpu.memory_space<hbm>>) dst(%arg6 : memref<512x128xf32, #tpu.memory_space<vmem>>)
    "tpu.region"() ({
      %run_scoped3A = tpu.sem_alloc : memref<!tpu.dma_semaphore, #tpu.memory_space<semaphore_mem>>
      %dma_start3A_65 = arith.constant 0 : i32
      %dma_start3A_66 = tpu.memref_slice %arg4[%add3A_34, %dma_start3A_65] : memref<131072x128xf32, #tpu.memory_space<hbm>> -> memref<512x128xf32, #tpu.memory_space<hbm>>
      %dma_start3A_67 = arith.constant 0 : i32
      %dma_start3A_68 = tpu.memref_slice %arg4[%add3A_34, %dma_start3A_67] : memref<131072x128xf32, #tpu.memory_space<hbm>> -> memref<512x128xf32, #tpu.memory_space<hbm>>
      tpu.enqueue_dma source(%arg6 : memref<512x128xf32, #tpu.memory_space<vmem>>) target(%dma_start3A_68 : memref<512x128xf32, #tpu.memory_space<hbm>>) target_semaphore(%run_scoped3A : memref<!tpu.dma_semaphore, #tpu.memory_space<semaphore_mem>>)
      %dma_wait3A_69 = arith.constant 0 : i32
      %dma_wait3A_70 = tpu.memref_slice %arg4[%add3A_34, %dma_wait3A_69] : memref<131072x128xf32, #tpu.memory_space<hbm>> -> memref<512x128xf32, #tpu.memory_space<hbm>>
      %dma_wait3A_71 = arith.constant 0 : i32
      %dma_wait3A_72 = tpu.memref_slice %arg4[%add3A_34, %dma_wait3A_71] : memref<131072x128xf32, #tpu.memory_space<hbm>> -> memref<512x128xf32, #tpu.memory_space<hbm>>
      tpu.wait_dma2 semaphore(%run_scoped3A : memref<!tpu.dma_semaphore, #tpu.memory_space<semaphore_mem>>) src(%arg6 : memref<512x128xf32, #tpu.memory_space<vmem>>) dst(%dma_wait3A_72 : memref<512x128xf32, #tpu.memory_space<hbm>>)
      tpu.yield
    }) : () -> ()
    %add3A_41 = arith.constant 2560 : i32
    %add3A_42 = arith.addi %mul3A_2, %add3A_41 : i32
    "tpu.region"() ({
      %run_scoped3A = tpu.sem_alloc : memref<!tpu.dma_semaphore, #tpu.memory_space<semaphore_mem>>
      %dma_start3A_65 = tpu.memref_slice %arg3[%add3A_42] : memref<131072xi32, #tpu.memory_space<hbm>> -> memref<512xi32, #tpu.memory_space<hbm>>
      %dma_start3A_66 = tpu.memref_slice %arg3[%add3A_42] : memref<131072xi32, #tpu.memory_space<hbm>> -> memref<512xi32, #tpu.memory_space<hbm>>
      tpu.enqueue_dma source(%dma_start3A_66 : memref<512xi32, #tpu.memory_space<hbm>>) target(%arg5 : memref<512xi32, #tpu.memory_space<vmem>>) target_semaphore(%run_scoped3A : memref<!tpu.dma_semaphore, #tpu.memory_space<semaphore_mem>>)
      %dma_wait3A_67 = tpu.memref_slice %arg3[%add3A_42] : memref<131072xi32, #tpu.memory_space<hbm>> -> memref<512xi32, #tpu.memory_space<hbm>>
      %dma_wait3A_68 = tpu.memref_slice %arg3[%add3A_42] : memref<131072xi32, #tpu.memory_space<hbm>> -> memref<512xi32, #tpu.memory_space<hbm>>
      tpu.wait_dma2 semaphore(%run_scoped3A : memref<!tpu.dma_semaphore, #tpu.memory_space<semaphore_mem>>) src(%dma_wait3A_68 : memref<512xi32, #tpu.memory_space<hbm>>) dst(%arg5 : memref<512xi32, #tpu.memory_space<vmem>>)
      tpu.yield
    }) : () -> ()
    %dma_start3A_43 = arith.constant 0 : i32
    %dma_start3A_44 = arith.constant 0 : i32
    %dma_start3A_45 = tpu.memref_slice %arg2[%dma_start3A_43, %dma_start3A_44] : memref<100000x128xf32, #tpu.memory_space<hbm>> -> memref<100000x128xf32, #tpu.memory_space<hbm>>
    tpu.enqueue_indirect_dma source(%dma_start3A_45 : memref<100000x128xf32, #tpu.memory_space<hbm>>) target(%arg6 : memref<512x128xf32, #tpu.memory_space<vmem>>) offsets(%arg5 : memref<512xi32, #tpu.memory_space<vmem>>) semaphore(%arg7 : memref<!tpu.dma_semaphore, #tpu.memory_space<semaphore_mem>>)
    %dma_wait3A_46 = arith.constant 0 : i32
    %dma_wait3A_47 = arith.constant 0 : i32
    %dma_wait3A_48 = tpu.memref_slice %arg2[%dma_wait3A_46, %dma_wait3A_47] : memref<100000x128xf32, #tpu.memory_space<hbm>> -> memref<100000x128xf32, #tpu.memory_space<hbm>>
    tpu.wait_indirect_dma semaphore(%arg7 : memref<!tpu.dma_semaphore, #tpu.memory_space<semaphore_mem>>) src(%dma_wait3A_48 : memref<100000x128xf32, #tpu.memory_space<hbm>>) dst(%arg6 : memref<512x128xf32, #tpu.memory_space<vmem>>)
    "tpu.region"() ({
      %run_scoped3A = tpu.sem_alloc : memref<!tpu.dma_semaphore, #tpu.memory_space<semaphore_mem>>
      %dma_start3A_65 = arith.constant 0 : i32
      %dma_start3A_66 = tpu.memref_slice %arg4[%add3A_42, %dma_start3A_65] : memref<131072x128xf32, #tpu.memory_space<hbm>> -> memref<512x128xf32, #tpu.memory_space<hbm>>
      %dma_start3A_67 = arith.constant 0 : i32
      %dma_start3A_68 = tpu.memref_slice %arg4[%add3A_42, %dma_start3A_67] : memref<131072x128xf32, #tpu.memory_space<hbm>> -> memref<512x128xf32, #tpu.memory_space<hbm>>
      tpu.enqueue_dma source(%arg6 : memref<512x128xf32, #tpu.memory_space<vmem>>) target(%dma_start3A_68 : memref<512x128xf32, #tpu.memory_space<hbm>>) target_semaphore(%run_scoped3A : memref<!tpu.dma_semaphore, #tpu.memory_space<semaphore_mem>>)
      %dma_wait3A_69 = arith.constant 0 : i32
      %dma_wait3A_70 = tpu.memref_slice %arg4[%add3A_42, %dma_wait3A_69] : memref<131072x128xf32, #tpu.memory_space<hbm>> -> memref<512x128xf32, #tpu.memory_space<hbm>>
      %dma_wait3A_71 = arith.constant 0 : i32
      %dma_wait3A_72 = tpu.memref_slice %arg4[%add3A_42, %dma_wait3A_71] : memref<131072x128xf32, #tpu.memory_space<hbm>> -> memref<512x128xf32, #tpu.memory_space<hbm>>
      tpu.wait_dma2 semaphore(%run_scoped3A : memref<!tpu.dma_semaphore, #tpu.memory_space<semaphore_mem>>) src(%arg6 : memref<512x128xf32, #tpu.memory_space<vmem>>) dst(%dma_wait3A_72 : memref<512x128xf32, #tpu.memory_space<hbm>>)
      tpu.yield
    }) : () -> ()
    %add3A_49 = arith.constant 3072 : i32
    %add3A_50 = arith.addi %mul3A_2, %add3A_49 : i32
    "tpu.region"() ({
      %run_scoped3A = tpu.sem_alloc : memref<!tpu.dma_semaphore, #tpu.memory_space<semaphore_mem>>
      %dma_start3A_65 = tpu.memref_slice %arg3[%add3A_50] : memref<131072xi32, #tpu.memory_space<hbm>> -> memref<512xi32, #tpu.memory_space<hbm>>
      %dma_start3A_66 = tpu.memref_slice %arg3[%add3A_50] : memref<131072xi32, #tpu.memory_space<hbm>> -> memref<512xi32, #tpu.memory_space<hbm>>
      tpu.enqueue_dma source(%dma_start3A_66 : memref<512xi32, #tpu.memory_space<hbm>>) target(%arg5 : memref<512xi32, #tpu.memory_space<vmem>>) target_semaphore(%run_scoped3A : memref<!tpu.dma_semaphore, #tpu.memory_space<semaphore_mem>>)
      %dma_wait3A_67 = tpu.memref_slice %arg3[%add3A_50] : memref<131072xi32, #tpu.memory_space<hbm>> -> memref<512xi32, #tpu.memory_space<hbm>>
      %dma_wait3A_68 = tpu.memref_slice %arg3[%add3A_50] : memref<131072xi32, #tpu.memory_space<hbm>> -> memref<512xi32, #tpu.memory_space<hbm>>
      tpu.wait_dma2 semaphore(%run_scoped3A : memref<!tpu.dma_semaphore, #tpu.memory_space<semaphore_mem>>) src(%dma_wait3A_68 : memref<512xi32, #tpu.memory_space<hbm>>) dst(%arg5 : memref<512xi32, #tpu.memory_space<vmem>>)
      tpu.yield
    }) : () -> ()
    %dma_start3A_51 = arith.constant 0 : i32
    %dma_start3A_52 = arith.constant 0 : i32
    %dma_start3A_53 = tpu.memref_slice %arg2[%dma_start3A_51, %dma_start3A_52] : memref<100000x128xf32, #tpu.memory_space<hbm>> -> memref<100000x128xf32, #tpu.memory_space<hbm>>
    tpu.enqueue_indirect_dma source(%dma_start3A_53 : memref<100000x128xf32, #tpu.memory_space<hbm>>) target(%arg6 : memref<512x128xf32, #tpu.memory_space<vmem>>) offsets(%arg5 : memref<512xi32, #tpu.memory_space<vmem>>) semaphore(%arg7 : memref<!tpu.dma_semaphore, #tpu.memory_space<semaphore_mem>>)
    %dma_wait3A_54 = arith.constant 0 : i32
    %dma_wait3A_55 = arith.constant 0 : i32
    %dma_wait3A_56 = tpu.memref_slice %arg2[%dma_wait3A_54, %dma_wait3A_55] : memref<100000x128xf32, #tpu.memory_space<hbm>> -> memref<100000x128xf32, #tpu.memory_space<hbm>>
    tpu.wait_indirect_dma semaphore(%arg7 : memref<!tpu.dma_semaphore, #tpu.memory_space<semaphore_mem>>) src(%dma_wait3A_56 : memref<100000x128xf32, #tpu.memory_space<hbm>>) dst(%arg6 : memref<512x128xf32, #tpu.memory_space<vmem>>)
    "tpu.region"() ({
      %run_scoped3A = tpu.sem_alloc : memref<!tpu.dma_semaphore, #tpu.memory_space<semaphore_mem>>
      %dma_start3A_65 = arith.constant 0 : i32
      %dma_start3A_66 = tpu.memref_slice %arg4[%add3A_50, %dma_start3A_65] : memref<131072x128xf32, #tpu.memory_space<hbm>> -> memref<512x128xf32, #tpu.memory_space<hbm>>
      %dma_start3A_67 = arith.constant 0 : i32
      %dma_start3A_68 = tpu.memref_slice %arg4[%add3A_50, %dma_start3A_67] : memref<131072x128xf32, #tpu.memory_space<hbm>> -> memref<512x128xf32, #tpu.memory_space<hbm>>
      tpu.enqueue_dma source(%arg6 : memref<512x128xf32, #tpu.memory_space<vmem>>) target(%dma_start3A_68 : memref<512x128xf32, #tpu.memory_space<hbm>>) target_semaphore(%run_scoped3A : memref<!tpu.dma_semaphore, #tpu.memory_space<semaphore_mem>>)
      %dma_wait3A_69 = arith.constant 0 : i32
      %dma_wait3A_70 = tpu.memref_slice %arg4[%add3A_50, %dma_wait3A_69] : memref<131072x128xf32, #tpu.memory_space<hbm>> -> memref<512x128xf32, #tpu.memory_space<hbm>>
      %dma_wait3A_71 = arith.constant 0 : i32
      %dma_wait3A_72 = tpu.memref_slice %arg4[%add3A_50, %dma_wait3A_71] : memref<131072x128xf32, #tpu.memory_space<hbm>> -> memref<512x128xf32, #tpu.memory_space<hbm>>
      tpu.wait_dma2 semaphore(%run_scoped3A : memref<!tpu.dma_semaphore, #tpu.memory_space<semaphore_mem>>) src(%arg6 : memref<512x128xf32, #tpu.memory_space<vmem>>) dst(%dma_wait3A_72 : memref<512x128xf32, #tpu.memory_space<hbm>>)
      tpu.yield
    }) : () -> ()
    %add3A_57 = arith.constant 3584 : i32
    %add3A_58 = arith.addi %mul3A_2, %add3A_57 : i32
    "tpu.region"() ({
      %run_scoped3A = tpu.sem_alloc : memref<!tpu.dma_semaphore, #tpu.memory_space<semaphore_mem>>
      %dma_start3A_65 = tpu.memref_slice %arg3[%add3A_58] : memref<131072xi32, #tpu.memory_space<hbm>> -> memref<512xi32, #tpu.memory_space<hbm>>
      %dma_start3A_66 = tpu.memref_slice %arg3[%add3A_58] : memref<131072xi32, #tpu.memory_space<hbm>> -> memref<512xi32, #tpu.memory_space<hbm>>
      tpu.enqueue_dma source(%dma_start3A_66 : memref<512xi32, #tpu.memory_space<hbm>>) target(%arg5 : memref<512xi32, #tpu.memory_space<vmem>>) target_semaphore(%run_scoped3A : memref<!tpu.dma_semaphore, #tpu.memory_space<semaphore_mem>>)
      %dma_wait3A_67 = tpu.memref_slice %arg3[%add3A_58] : memref<131072xi32, #tpu.memory_space<hbm>> -> memref<512xi32, #tpu.memory_space<hbm>>
      %dma_wait3A_68 = tpu.memref_slice %arg3[%add3A_58] : memref<131072xi32, #tpu.memory_space<hbm>> -> memref<512xi32, #tpu.memory_space<hbm>>
      tpu.wait_dma2 semaphore(%run_scoped3A : memref<!tpu.dma_semaphore, #tpu.memory_space<semaphore_mem>>) src(%dma_wait3A_68 : memref<512xi32, #tpu.memory_space<hbm>>) dst(%arg5 : memref<512xi32, #tpu.memory_space<vmem>>)
      tpu.yield
    }) : () -> ()
    %dma_start3A_59 = arith.constant 0 : i32
    %dma_start3A_60 = arith.constant 0 : i32
    %dma_start3A_61 = tpu.memref_slice %arg2[%dma_start3A_59, %dma_start3A_60] : memref<100000x128xf32, #tpu.memory_space<hbm>> -> memref<100000x128xf32, #tpu.memory_space<hbm>>
    tpu.enqueue_indirect_dma source(%dma_start3A_61 : memref<100000x128xf32, #tpu.memory_space<hbm>>) target(%arg6 : memref<512x128xf32, #tpu.memory_space<vmem>>) offsets(%arg5 : memref<512xi32, #tpu.memory_space<vmem>>) semaphore(%arg7 : memref<!tpu.dma_semaphore, #tpu.memory_space<semaphore_mem>>)
    %dma_wait3A_62 = arith.constant 0 : i32
    %dma_wait3A_63 = arith.constant 0 : i32
    %dma_wait3A_64 = tpu.memref_slice %arg2[%dma_wait3A_62, %dma_wait3A_63] : memref<100000x128xf32, #tpu.memory_space<hbm>> -> memref<100000x128xf32, #tpu.memory_space<hbm>>
    tpu.wait_indirect_dma semaphore(%arg7 : memref<!tpu.dma_semaphore, #tpu.memory_space<semaphore_mem>>) src(%dma_wait3A_64 : memref<100000x128xf32, #tpu.memory_space<hbm>>) dst(%arg6 : memref<512x128xf32, #tpu.memory_space<vmem>>)
    "tpu.region"() ({
      %run_scoped3A = tpu.sem_alloc : memref<!tpu.dma_semaphore, #tpu.memory_space<semaphore_mem>>
      %dma_start3A_65 = arith.constant 0 : i32
      %dma_start3A_66 = tpu.memref_slice %arg4[%add3A_58, %dma_start3A_65] : memref<131072x128xf32, #tpu.memory_space<hbm>> -> memref<512x128xf32, #tpu.memory_space<hbm>>
      %dma_start3A_67 = arith.constant 0 : i32
      %dma_start3A_68 = tpu.memref_slice %arg4[%add3A_58, %dma_start3A_67] : memref<131072x128xf32, #tpu.memory_space<hbm>> -> memref<512x128xf32, #tpu.memory_space<hbm>>
      tpu.enqueue_dma source(%arg6 : memref<512x128xf32, #tpu.memory_space<vmem>>) target(%dma_start3A_68 : memref<512x128xf32, #tpu.memory_space<hbm>>) target_semaphore(%run_scoped3A : memref<!tpu.dma_semaphore, #tpu.memory_space<semaphore_mem>>)
      %dma_wait3A_69 = arith.constant 0 : i32
      %dma_wait3A_70 = tpu.memref_slice %arg4[%add3A_58, %dma_wait3A_69] : memref<131072x128xf32, #tpu.memory_space<hbm>> -> memref<512x128xf32, #tpu.memory_space<hbm>>
      %dma_wait3A_71 = arith.constant 0 : i32
      %dma_wait3A_72 = tpu.memref_slice %arg4[%add3A_58, %dma_wait3A_71] : memref<131072x128xf32, #tpu.memory_space<hbm>> -> memref<512x128xf32, #tpu.memory_space<hbm>>
      tpu.wait_dma2 semaphore(%run_scoped3A : memref<!tpu.dma_semaphore, #tpu.memory_space<semaphore_mem>>) src(%arg6 : memref<512x128xf32, #tpu.memory_space<vmem>>) dst(%dma_wait3A_72 : memref<512x128xf32, #tpu.memory_space<hbm>>)
      tpu.yield
    }) : () -> ()
    return
  }
}

module attributes {stable_mosaic.version = 14 : i64} {
  func.func @_attn_body(%arg0: i32, %arg1: memref<512x128xf32, #tpu.memory_space<vmem>>, %arg2: memref<8192x128xf32, #tpu.memory_space<vmem>>, %arg3: memref<512x1xf32, #tpu.memory_space<vmem>>, %arg4: memref<512x16xf32, #tpu.memory_space<vmem>>, %arg5: memref<512x16xi32, #tpu.memory_space<vmem>>, %arg6: memref<1x128xf32, #tpu.memory_space<vmem>>, %arg7: memref<1x128xf32, #tpu.memory_space<vmem>>, %arg8: memref<256x256xf32, #tpu.memory_space<vmem>>, %arg9: memref<256x256xf32, #tpu.memory_space<vmem>>, %arg10: memref<256x256xf32, #tpu.memory_space<vmem>>, %arg11: memref<256x256xf32, #tpu.memory_space<vmem>>, %arg12: memref<384x128xf32, #tpu.memory_space<vmem>>, %arg13: memref<1x128xf32, #tpu.memory_space<vmem>>, %arg14: memref<128x128xf32, #tpu.memory_space<vmem>>, %arg15: memref<1x128xf32, #tpu.memory_space<vmem>>, %arg16: memref<512x128xf32, #tpu.memory_space<vmem>>) attributes {dimension_semantics = [#tpu.dimension_semantics<arbitrary>], iteration_bounds = array<i64: 1>, scalar_prefetch = 0 : i64, scratch_operands = 0 : i64, tpu.core_type = #tpu.core_type<tc>, window_params = [{transform_indices = @transform_0, window_bounds = array<i64: 512, 128>}, {transform_indices = @transform_1, window_bounds = array<i64: 8192, 128>}, {transform_indices = @transform_2, window_bounds = array<i64: 512, 1>}, {transform_indices = @transform_3, window_bounds = array<i64: 512, 16>}, {transform_indices = @transform_4, window_bounds = array<i64: 512, 16>}, {pipeline_mode = #tpu.pipeline_mode<synchronous>, transform_indices = @transform_5, window_bounds = array<i64: 1, 128>}, {pipeline_mode = #tpu.pipeline_mode<synchronous>, transform_indices = @transform_6, window_bounds = array<i64: 1, 128>}, {pipeline_mode = #tpu.pipeline_mode<synchronous>, transform_indices = @transform_7, window_bounds = array<i64: 256, 256>}, {pipeline_mode = #tpu.pipeline_mode<synchronous>, transform_indices = @transform_8, window_bounds = array<i64: 256, 256>}, {pipeline_mode = #tpu.pipeline_mode<synchronous>, transform_indices = @transform_9, window_bounds = array<i64: 256, 256>}, {pipeline_mode = #tpu.pipeline_mode<synchronous>, transform_indices = @transform_10, window_bounds = array<i64: 256, 256>}, {pipeline_mode = #tpu.pipeline_mode<synchronous>, transform_indices = @transform_11, window_bounds = array<i64: 384, 128>}, {pipeline_mode = #tpu.pipeline_mode<synchronous>, transform_indices = @transform_12, window_bounds = array<i64: 1, 128>}, {pipeline_mode = #tpu.pipeline_mode<synchronous>, transform_indices = @transform_13, window_bounds = array<i64: 128, 128>}, {pipeline_mode = #tpu.pipeline_mode<synchronous>, transform_indices = @transform_14, window_bounds = array<i64: 1, 128>}, {transform_indices = @transform_15, window_bounds = array<i64: 512, 128>}]} {
    %get3A = arith.constant 0 : index
    %get3A_0 = arith.constant 0 : index
    %get3A_1 = vector.load %arg1[%get3A, %get3A_0] : memref<512x128xf32, #tpu.memory_space<vmem>>, vector<512x128xf32>
    %get3A_2 = arith.constant 0 : index
    %get3A_3 = arith.constant 0 : index
    %get3A_4 = vector.load %arg7[%get3A_2, %get3A_3] : memref<1x128xf32, #tpu.memory_space<vmem>>, vector<1x128xf32>
    %cos3A = math.cos %get3A_4 : vector<1x128xf32>
    %broadcast_in_dim3A = vector.shape_cast %cos3A : vector<1x128xf32> to vector<1x128xf32>
    %broadcast_in_dim3A_5 = vector.broadcast %broadcast_in_dim3A : vector<1x128xf32> to vector<512x128xf32>
    %concatenate3A = tpu.concatenate %get3A_1, %broadcast_in_dim3A_5 in 1 : vector<512x128xf32>, vector<512x128xf32> -> vector<512x256xf32>
    %get3A_6 = arith.constant 0 : index
    %get3A_7 = arith.constant 0 : index
    %get3A_8 = vector.load %arg8[%get3A_6, %get3A_7] : memref<256x256xf32, #tpu.memory_space<vmem>>, vector<256x256xf32>
    %dot_general3A = arith.constant dense<0.000000e+00> : vector<512x256xf32>
    %dot_general3A_9 = tpu.matmul %concatenate3A, %get3A_8, %dot_general3A {dimension_numbers = #tpu.dot_dimension_numbers<[1], [0], [0], [1], [0, 0, 1, 1], [], []>, transpose_lhs_hint = false} : vector<512x256xf32>, vector<256x256xf32>, vector<512x256xf32> -> vector<512x256xf32>
    %get3A_10 = arith.constant 0 : index
    %get3A_11 = arith.constant 0 : index
    %get3A_12 = vector.load %arg3[%get3A_10, %get3A_11] : memref<512x1xf32, #tpu.memory_space<vmem>>, vector<512x1xf32>
    %get3A_13 = arith.constant 0 : index
    %get3A_14 = arith.constant 0 : index
    %get3A_15 = vector.load %arg4[%get3A_13, %get3A_14] : memref<512x16xf32, #tpu.memory_space<vmem>>, vector<512x16xf32>
    %sub3A = vector.broadcast %get3A_12 : vector<512x1xf32> to vector<512x16xf32>
    %sub3A_16 = arith.subf %sub3A, %get3A_15 : vector<512x16xf32>
    %broadcast_in_dim3A_17 = vector.shape_cast %sub3A_16 : vector<512x16xf32> to vector<512x16x1xf32>
    %broadcast_in_dim3A_18 = vector.broadcast %broadcast_in_dim3A_17 : vector<512x16x1xf32> to vector<512x16x128xf32>
    %get3A_19 = arith.constant 0 : index
    %get3A_20 = arith.constant 0 : index
    %get3A_21 = vector.load %arg6[%get3A_19, %get3A_20] : memref<1x128xf32, #tpu.memory_space<vmem>>, vector<1x128xf32>
    %broadcast_in_dim3A_22 = vector.shape_cast %get3A_21 : vector<1x128xf32> to vector<1x1x128xf32>
    %broadcast_in_dim3A_23 = vector.broadcast %broadcast_in_dim3A_22 : vector<1x1x128xf32> to vector<512x16x128xf32>
    %broadcast_in_dim3A_24 = vector.shape_cast %get3A_4 : vector<1x128xf32> to vector<1x1x128xf32>
    %broadcast_in_dim3A_25 = vector.broadcast %broadcast_in_dim3A_24 : vector<1x1x128xf32> to vector<512x16x128xf32>
    %mul3A = arith.mulf %broadcast_in_dim3A_18, %broadcast_in_dim3A_23 : vector<512x16x128xf32>
    %add3A = arith.addf %mul3A, %broadcast_in_dim3A_25 : vector<512x16x128xf32>
    %cos3A_26 = math.cos %add3A : vector<512x16x128xf32>
    %get3A_27 = arith.constant 0 : index
    %get3A_28 = arith.constant 0 : index
    %get3A_29 = vector.load %arg2[%get3A_27, %get3A_28] : memref<8192x128xf32, #tpu.memory_space<vmem>>, vector<8192x128xf32>
    %reshape3A = vector.shape_cast %get3A_29 : vector<8192x128xf32> to vector<512x16x128xf32>
    %concatenate3A_30 = tpu.concatenate %reshape3A, %cos3A_26 in 2 : vector<512x16x128xf32>, vector<512x16x128xf32> -> vector<512x16x256xf32>
    %reshape3A_31 = vector.shape_cast %concatenate3A_30 : vector<512x16x256xf32> to vector<8192x256xf32>
    %get3A_32 = arith.constant 0 : index
    %get3A_33 = arith.constant 0 : index
    %get3A_34 = vector.load %arg9[%get3A_32, %get3A_33] : memref<256x256xf32, #tpu.memory_space<vmem>>, vector<256x256xf32>
    %dot_general3A_35 = arith.constant dense<0.000000e+00> : vector<8192x256xf32>
    %dot_general3A_36 = tpu.matmul %reshape3A_31, %get3A_34, %dot_general3A_35 {dimension_numbers = #tpu.dot_dimension_numbers<[1], [0], [0], [1], [0, 0, 1, 1], [], []>, transpose_lhs_hint = false} : vector<8192x256xf32>, vector<256x256xf32>, vector<8192x256xf32> -> vector<8192x256xf32>
    %get3A_37 = arith.constant 0 : index
    %get3A_38 = arith.constant 0 : index
    %get3A_39 = vector.load %arg10[%get3A_37, %get3A_38] : memref<256x256xf32, #tpu.memory_space<vmem>>, vector<256x256xf32>
    %dot_general3A_40 = arith.constant dense<0.000000e+00> : vector<8192x256xf32>
    %dot_general3A_41 = tpu.matmul %reshape3A_31, %get3A_39, %dot_general3A_40 {dimension_numbers = #tpu.dot_dimension_numbers<[1], [0], [0], [1], [0, 0, 1, 1], [], []>, transpose_lhs_hint = false} : vector<8192x256xf32>, vector<256x256xf32>, vector<8192x256xf32> -> vector<8192x256xf32>
    %broadcast_in_dim3A_42 = vector.shape_cast %dot_general3A_9 : vector<512x256xf32> to vector<512x1x256xf32>
    %broadcast_in_dim3A_43 = vector.broadcast %broadcast_in_dim3A_42 : vector<512x1x256xf32> to vector<512x16x256xf32>
    %reshape3A_44 = vector.shape_cast %dot_general3A_36 : vector<8192x256xf32> to vector<512x16x256xf32>
    %mul3A_45 = arith.mulf %broadcast_in_dim3A_43, %reshape3A_44 : vector<512x16x256xf32>
    %reshape3A_46 = vector.shape_cast %dot_general3A_41 : vector<8192x256xf32> to vector<512x16x256xf32>
    %get3A_47 = arith.constant 0 : index
    %get3A_48 = arith.constant 0 : index
    %get3A_49 = vector.load %arg5[%get3A_47, %get3A_48] : memref<512x16xi32, #tpu.memory_space<vmem>>, vector<512x16xi32>
    %eq3A = arith.constant 0 : i32
    %eq3A_50 = vector.broadcast %eq3A : i32 to vector<512x16xi32>
    %eq3A_51 = arith.cmpi eq, %get3A_49, %eq3A_50 : vector<512x16xi32>
    %slice3A = vector.extract_strided_slice %mul3A_45 {offsets = [0, 0, 0], sizes = [512, 16, 64], strides = [1, 1, 1]} : vector<512x16x256xf32> to vector<512x16x64xf32>
    %reduce_sum3A = arith.constant dense<0.000000e+00> : vector<512x16xf32>
    %reduce_sum3A_52 = vector.multi_reduction <add>, %slice3A, %reduce_sum3A [2] : vector<512x16x64xf32> to vector<512x16xf32>
    %mul3A_53 = arith.constant 1.250000e-01 : f32
    %mul3A_54 = vector.broadcast %mul3A_53 : f32 to vector<512x16xf32>
    %mul3A_55 = arith.mulf %reduce_sum3A_52, %mul3A_54 : vector<512x16xf32>
    %jit3A = arith.constant -1.000000e+10 : f32
    %broadcast_in_dim3A_56 = vector.broadcast %jit3A : f32 to vector<512x16xf32>
    %select_n3A = arith.select %eq3A_51, %broadcast_in_dim3A_56, %mul3A_55 : vector<512x16xi1>, vector<512x16xf32>
    %reduce_max3A = arith.constant dense<0xFF800000> : vector<512xf32>
    %reduce_max3A_57 = vector.multi_reduction <maximumf>, %select_n3A, %reduce_max3A [1] : vector<512x16xf32> to vector<512xf32>
    %broadcast_in_dim3A_58 = vector.shape_cast %reduce_max3A_57 : vector<512xf32> to vector<512x1xf32>
    %sub3A_59 = vector.broadcast %broadcast_in_dim3A_58 : vector<512x1xf32> to vector<512x16xf32>
    %sub3A_60 = arith.subf %select_n3A, %sub3A_59 : vector<512x16xf32>
    %exp3A = math.exp %sub3A_60 : vector<512x16xf32>
    %reduce_sum3A_61 = arith.constant dense<0.000000e+00> : vector<512xf32>
    %reduce_sum3A_62 = vector.multi_reduction <add>, %exp3A, %reduce_sum3A_61 [1] : vector<512x16xf32> to vector<512xf32>
    %broadcast_in_dim3A_63 = vector.shape_cast %reduce_sum3A_62 : vector<512xf32> to vector<512x1xf32>
    %div3A = vector.broadcast %broadcast_in_dim3A_63 : vector<512x1xf32> to vector<512x16xf32>
    %div3A_64 = arith.divf %exp3A, %div3A : vector<512x16xf32>
    %slice3A_65 = vector.extract_strided_slice %reshape3A_46 {offsets = [0, 0, 0], sizes = [512, 16, 64], strides = [1, 1, 1]} : vector<512x16x256xf32> to vector<512x16x64xf32>
    %broadcast_in_dim3A_66 = vector.shape_cast %div3A_64 : vector<512x16xf32> to vector<512x16x1xf32>
    %broadcast_in_dim3A_67 = vector.broadcast %broadcast_in_dim3A_66 : vector<512x16x1xf32> to vector<512x16x64xf32>
    %mul3A_68 = arith.mulf %broadcast_in_dim3A_67, %slice3A_65 : vector<512x16x64xf32>
    %reduce_sum3A_69 = arith.constant dense<0.000000e+00> : vector<512x64xf32>
    %reduce_sum3A_70 = vector.multi_reduction <add>, %mul3A_68, %reduce_sum3A_69 [1] : vector<512x16x64xf32> to vector<512x64xf32>
    %slice3A_71 = vector.extract_strided_slice %mul3A_45 {offsets = [0, 0, 64], sizes = [512, 16, 64], strides = [1, 1, 1]} : vector<512x16x256xf32> to vector<512x16x64xf32>
    %reduce_sum3A_72 = arith.constant dense<0.000000e+00> : vector<512x16xf32>
    %reduce_sum3A_73 = vector.multi_reduction <add>, %slice3A_71, %reduce_sum3A_72 [2] : vector<512x16x64xf32> to vector<512x16xf32>
    %mul3A_74 = arith.constant 1.250000e-01 : f32
    %mul3A_75 = vector.broadcast %mul3A_74 : f32 to vector<512x16xf32>
    %mul3A_76 = arith.mulf %reduce_sum3A_73, %mul3A_75 : vector<512x16xf32>
    %jit3A_77 = arith.constant -1.000000e+10 : f32
    %broadcast_in_dim3A_78 = vector.broadcast %jit3A_77 : f32 to vector<512x16xf32>
    %select_n3A_79 = arith.select %eq3A_51, %broadcast_in_dim3A_78, %mul3A_76 : vector<512x16xi1>, vector<512x16xf32>
    %reduce_max3A_80 = arith.constant dense<0xFF800000> : vector<512xf32>
    %reduce_max3A_81 = vector.multi_reduction <maximumf>, %select_n3A_79, %reduce_max3A_80 [1] : vector<512x16xf32> to vector<512xf32>
    %broadcast_in_dim3A_82 = vector.shape_cast %reduce_max3A_81 : vector<512xf32> to vector<512x1xf32>
    %sub3A_83 = vector.broadcast %broadcast_in_dim3A_82 : vector<512x1xf32> to vector<512x16xf32>
    %sub3A_84 = arith.subf %select_n3A_79, %sub3A_83 : vector<512x16xf32>
    %exp3A_85 = math.exp %sub3A_84 : vector<512x16xf32>
    %reduce_sum3A_86 = arith.constant dense<0.000000e+00> : vector<512xf32>
    %reduce_sum3A_87 = vector.multi_reduction <add>, %exp3A_85, %reduce_sum3A_86 [1] : vector<512x16xf32> to vector<512xf32>
    %broadcast_in_dim3A_88 = vector.shape_cast %reduce_sum3A_87 : vector<512xf32> to vector<512x1xf32>
    %div3A_89 = vector.broadcast %broadcast_in_dim3A_88 : vector<512x1xf32> to vector<512x16xf32>
    %div3A_90 = arith.divf %exp3A_85, %div3A_89 : vector<512x16xf32>
    %slice3A_91 = vector.extract_strided_slice %reshape3A_46 {offsets = [0, 0, 64], sizes = [512, 16, 64], strides = [1, 1, 1]} : vector<512x16x256xf32> to vector<512x16x64xf32>
    %broadcast_in_dim3A_92 = vector.shape_cast %div3A_90 : vector<512x16xf32> to vector<512x16x1xf32>
    %broadcast_in_dim3A_93 = vector.broadcast %broadcast_in_dim3A_92 : vector<512x16x1xf32> to vector<512x16x64xf32>
    %mul3A_94 = arith.mulf %broadcast_in_dim3A_93, %slice3A_91 : vector<512x16x64xf32>
    %reduce_sum3A_95 = arith.constant dense<0.000000e+00> : vector<512x64xf32>
    %reduce_sum3A_96 = vector.multi_reduction <add>, %mul3A_94, %reduce_sum3A_95 [1] : vector<512x16x64xf32> to vector<512x64xf32>
    %slice3A_97 = vector.extract_strided_slice %mul3A_45 {offsets = [0, 0, 128], sizes = [512, 16, 64], strides = [1, 1, 1]} : vector<512x16x256xf32> to vector<512x16x64xf32>
    %reduce_sum3A_98 = arith.constant dense<0.000000e+00> : vector<512x16xf32>
    %reduce_sum3A_99 = vector.multi_reduction <add>, %slice3A_97, %reduce_sum3A_98 [2] : vector<512x16x64xf32> to vector<512x16xf32>
    %mul3A_100 = arith.constant 1.250000e-01 : f32
    %mul3A_101 = vector.broadcast %mul3A_100 : f32 to vector<512x16xf32>
    %mul3A_102 = arith.mulf %reduce_sum3A_99, %mul3A_101 : vector<512x16xf32>
    %jit3A_103 = arith.constant -1.000000e+10 : f32
    %broadcast_in_dim3A_104 = vector.broadcast %jit3A_103 : f32 to vector<512x16xf32>
    %select_n3A_105 = arith.select %eq3A_51, %broadcast_in_dim3A_104, %mul3A_102 : vector<512x16xi1>, vector<512x16xf32>
    %reduce_max3A_106 = arith.constant dense<0xFF800000> : vector<512xf32>
    %reduce_max3A_107 = vector.multi_reduction <maximumf>, %select_n3A_105, %reduce_max3A_106 [1] : vector<512x16xf32> to vector<512xf32>
    %broadcast_in_dim3A_108 = vector.shape_cast %reduce_max3A_107 : vector<512xf32> to vector<512x1xf32>
    %sub3A_109 = vector.broadcast %broadcast_in_dim3A_108 : vector<512x1xf32> to vector<512x16xf32>
    %sub3A_110 = arith.subf %select_n3A_105, %sub3A_109 : vector<512x16xf32>
    %exp3A_111 = math.exp %sub3A_110 : vector<512x16xf32>
    %reduce_sum3A_112 = arith.constant dense<0.000000e+00> : vector<512xf32>
    %reduce_sum3A_113 = vector.multi_reduction <add>, %exp3A_111, %reduce_sum3A_112 [1] : vector<512x16xf32> to vector<512xf32>
    %broadcast_in_dim3A_114 = vector.shape_cast %reduce_sum3A_113 : vector<512xf32> to vector<512x1xf32>
    %div3A_115 = vector.broadcast %broadcast_in_dim3A_114 : vector<512x1xf32> to vector<512x16xf32>
    %div3A_116 = arith.divf %exp3A_111, %div3A_115 : vector<512x16xf32>
    %slice3A_117 = vector.extract_strided_slice %reshape3A_46 {offsets = [0, 0, 128], sizes = [512, 16, 64], strides = [1, 1, 1]} : vector<512x16x256xf32> to vector<512x16x64xf32>
    %broadcast_in_dim3A_118 = vector.shape_cast %div3A_116 : vector<512x16xf32> to vector<512x16x1xf32>
    %broadcast_in_dim3A_119 = vector.broadcast %broadcast_in_dim3A_118 : vector<512x16x1xf32> to vector<512x16x64xf32>
    %mul3A_120 = arith.mulf %broadcast_in_dim3A_119, %slice3A_117 : vector<512x16x64xf32>
    %reduce_sum3A_121 = arith.constant dense<0.000000e+00> : vector<512x64xf32>
    %reduce_sum3A_122 = vector.multi_reduction <add>, %mul3A_120, %reduce_sum3A_121 [1] : vector<512x16x64xf32> to vector<512x64xf32>
    %slice3A_123 = vector.extract_strided_slice %mul3A_45 {offsets = [0, 0, 192], sizes = [512, 16, 64], strides = [1, 1, 1]} : vector<512x16x256xf32> to vector<512x16x64xf32>
    %reduce_sum3A_124 = arith.constant dense<0.000000e+00> : vector<512x16xf32>
    %reduce_sum3A_125 = vector.multi_reduction <add>, %slice3A_123, %reduce_sum3A_124 [2] : vector<512x16x64xf32> to vector<512x16xf32>
    %mul3A_126 = arith.constant 1.250000e-01 : f32
    %mul3A_127 = vector.broadcast %mul3A_126 : f32 to vector<512x16xf32>
    %mul3A_128 = arith.mulf %reduce_sum3A_125, %mul3A_127 : vector<512x16xf32>
    %jit3A_129 = arith.constant -1.000000e+10 : f32
    %broadcast_in_dim3A_130 = vector.broadcast %jit3A_129 : f32 to vector<512x16xf32>
    %select_n3A_131 = arith.select %eq3A_51, %broadcast_in_dim3A_130, %mul3A_128 : vector<512x16xi1>, vector<512x16xf32>
    %reduce_max3A_132 = arith.constant dense<0xFF800000> : vector<512xf32>
    %reduce_max3A_133 = vector.multi_reduction <maximumf>, %select_n3A_131, %reduce_max3A_132 [1] : vector<512x16xf32> to vector<512xf32>
    %broadcast_in_dim3A_134 = vector.shape_cast %reduce_max3A_133 : vector<512xf32> to vector<512x1xf32>
    %sub3A_135 = vector.broadcast %broadcast_in_dim3A_134 : vector<512x1xf32> to vector<512x16xf32>
    %sub3A_136 = arith.subf %select_n3A_131, %sub3A_135 : vector<512x16xf32>
    %exp3A_137 = math.exp %sub3A_136 : vector<512x16xf32>
    %reduce_sum3A_138 = arith.constant dense<0.000000e+00> : vector<512xf32>
    %reduce_sum3A_139 = vector.multi_reduction <add>, %exp3A_137, %reduce_sum3A_138 [1] : vector<512x16xf32> to vector<512xf32>
    %broadcast_in_dim3A_140 = vector.shape_cast %reduce_sum3A_139 : vector<512xf32> to vector<512x1xf32>
    %div3A_141 = vector.broadcast %broadcast_in_dim3A_140 : vector<512x1xf32> to vector<512x16xf32>
    %div3A_142 = arith.divf %exp3A_137, %div3A_141 : vector<512x16xf32>
    %slice3A_143 = vector.extract_strided_slice %reshape3A_46 {offsets = [0, 0, 192], sizes = [512, 16, 64], strides = [1, 1, 1]} : vector<512x16x256xf32> to vector<512x16x64xf32>
    %broadcast_in_dim3A_144 = vector.shape_cast %div3A_142 : vector<512x16xf32> to vector<512x16x1xf32>
    %broadcast_in_dim3A_145 = vector.broadcast %broadcast_in_dim3A_144 : vector<512x16x1xf32> to vector<512x16x64xf32>
    %mul3A_146 = arith.mulf %broadcast_in_dim3A_145, %slice3A_143 : vector<512x16x64xf32>
    %reduce_sum3A_147 = arith.constant dense<0.000000e+00> : vector<512x64xf32>
    %reduce_sum3A_148 = vector.multi_reduction <add>, %mul3A_146, %reduce_sum3A_147 [1] : vector<512x16x64xf32> to vector<512x64xf32>
    %concatenate3A_149 = tpu.concatenate %reduce_sum3A_70, %reduce_sum3A_96, %reduce_sum3A_122, %reduce_sum3A_148 in 1 : vector<512x64xf32>, vector<512x64xf32>, vector<512x64xf32>, vector<512x64xf32> -> vector<512x256xf32>
    %get3A_150 = arith.constant 0 : index
    %get3A_151 = arith.constant 0 : index
    %get3A_152 = vector.load %arg11[%get3A_150, %get3A_151] : memref<256x256xf32, #tpu.memory_space<vmem>>, vector<256x256xf32>
    %dot_general3A_153 = arith.constant dense<0.000000e+00> : vector<512x256xf32>
    %dot_general3A_154 = tpu.matmul %concatenate3A_149, %get3A_152, %dot_general3A_153 {dimension_numbers = #tpu.dot_dimension_numbers<[1], [0], [0], [1], [0, 0, 1, 1], [], []>, transpose_lhs_hint = false} : vector<512x256xf32>, vector<256x256xf32>, vector<512x256xf32> -> vector<512x256xf32>
    %concatenate3A_155 = tpu.concatenate %dot_general3A_154, %get3A_1 in 1 : vector<512x256xf32>, vector<512x128xf32> -> vector<512x384xf32>
    %get3A_156 = arith.constant 0 : index
    %get3A_157 = arith.constant 0 : index
    %get3A_158 = vector.load %arg12[%get3A_156, %get3A_157] : memref<384x128xf32, #tpu.memory_space<vmem>>, vector<384x128xf32>
    %dot_general3A_159 = arith.constant dense<0.000000e+00> : vector<512x128xf32>
    %dot_general3A_160 = tpu.matmul %concatenate3A_155, %get3A_158, %dot_general3A_159 {dimension_numbers = #tpu.dot_dimension_numbers<[1], [0], [0], [1], [0, 0, 1, 1], [], []>, transpose_lhs_hint = false} : vector<512x384xf32>, vector<384x128xf32>, vector<512x128xf32> -> vector<512x128xf32>
    %get3A_161 = arith.constant 0 : index
    %get3A_162 = arith.constant 0 : index
    %get3A_163 = vector.load %arg13[%get3A_161, %get3A_162] : memref<1x128xf32, #tpu.memory_space<vmem>>, vector<1x128xf32>
    %add3A_164 = vector.broadcast %get3A_163 : vector<1x128xf32> to vector<512x128xf32>
    %add3A_165 = arith.addf %dot_general3A_160, %add3A_164 : vector<512x128xf32>
    %max3A = arith.constant 0.000000e+00 : f32
    %max3A_166 = vector.broadcast %max3A : f32 to vector<512x128xf32>
    %max3A_167 = arith.maximumf %add3A_165, %max3A_166 : vector<512x128xf32>
    %get3A_168 = arith.constant 0 : index
    %get3A_169 = arith.constant 0 : index
    %get3A_170 = vector.load %arg14[%get3A_168, %get3A_169] : memref<128x128xf32, #tpu.memory_space<vmem>>, vector<128x128xf32>
    %dot_general3A_171 = arith.constant dense<0.000000e+00> : vector<512x128xf32>
    %dot_general3A_172 = tpu.matmul %max3A_167, %get3A_170, %dot_general3A_171 {dimension_numbers = #tpu.dot_dimension_numbers<[1], [0], [0], [1], [0, 0, 1, 1], [], []>, transpose_lhs_hint = false} : vector<512x128xf32>, vector<128x128xf32>, vector<512x128xf32> -> vector<512x128xf32>
    %get3A_173 = arith.constant 0 : index
    %get3A_174 = arith.constant 0 : index
    %get3A_175 = vector.load %arg15[%get3A_173, %get3A_174] : memref<1x128xf32, #tpu.memory_space<vmem>>, vector<1x128xf32>
    %add3A_176 = vector.broadcast %get3A_175 : vector<1x128xf32> to vector<512x128xf32>
    %add3A_177 = arith.addf %dot_general3A_172, %add3A_176 : vector<512x128xf32>
    %swap3A = arith.constant 0 : index
    %swap3A_178 = arith.constant 0 : index
    %swap3A_179 = vector.load %arg16[%swap3A, %swap3A_178] : memref<512x128xf32, #tpu.memory_space<vmem>>, vector<512x128xf32>
    tpu.vector_store %arg16[%swap3A, %swap3A_178], %add3A_177 {strides = array<i32>} : memref<512x128xf32, #tpu.memory_space<vmem>>, vector<512x128xf32>,
    return
  }
  func.func @transform_0(%arg0: i32) -> (i32, i32) {
    %c0_i32 = arith.constant 0 : i32
    %c0_i32_0 = arith.constant 0 : i32
    return %arg0, %c0_i32 : i32, i32
  }
  func.func @transform_1(%arg0: i32) -> (i32, i32) {
    %c0_i32 = arith.constant 0 : i32
    %c0_i32_0 = arith.constant 0 : i32
    return %arg0, %c0_i32 : i32, i32
  }
  func.func @transform_2(%arg0: i32) -> (i32, i32) {
    %c0_i32 = arith.constant 0 : i32
    %c0_i32_0 = arith.constant 0 : i32
    return %arg0, %c0_i32 : i32, i32
  }
  func.func @transform_3(%arg0: i32) -> (i32, i32) {
    %c0_i32 = arith.constant 0 : i32
    %c0_i32_0 = arith.constant 0 : i32
    return %arg0, %c0_i32 : i32, i32
  }
  func.func @transform_4(%arg0: i32) -> (i32, i32) {
    %c0_i32 = arith.constant 0 : i32
    %c0_i32_0 = arith.constant 0 : i32
    return %arg0, %c0_i32 : i32, i32
  }
  func.func @transform_5(%arg0: i32) -> (i32, i32) {
    %c0_i32 = arith.constant 0 : i32
    %c0_i32_0 = arith.constant 0 : i32
    %c0_i32_1 = arith.constant 0 : i32
    return %c0_i32, %c0_i32_0 : i32, i32
  }
  func.func @transform_6(%arg0: i32) -> (i32, i32) {
    %c0_i32 = arith.constant 0 : i32
    %c0_i32_0 = arith.constant 0 : i32
    %c0_i32_1 = arith.constant 0 : i32
    return %c0_i32, %c0_i32_0 : i32, i32
  }
  func.func @transform_7(%arg0: i32) -> (i32, i32) {
    %c0_i32 = arith.constant 0 : i32
    %c0_i32_0 = arith.constant 0 : i32
    %c0_i32_1 = arith.constant 0 : i32
    return %c0_i32, %c0_i32_0 : i32, i32
  }
  func.func @transform_8(%arg0: i32) -> (i32, i32) {
    %c0_i32 = arith.constant 0 : i32
    %c0_i32_0 = arith.constant 0 : i32
    %c0_i32_1 = arith.constant 0 : i32
    return %c0_i32, %c0_i32_0 : i32, i32
  }
  func.func @transform_9(%arg0: i32) -> (i32, i32) {
    %c0_i32 = arith.constant 0 : i32
    %c0_i32_0 = arith.constant 0 : i32
    %c0_i32_1 = arith.constant 0 : i32
    return %c0_i32, %c0_i32_0 : i32, i32
  }
  func.func @transform_10(%arg0: i32) -> (i32, i32) {
    %c0_i32 = arith.constant 0 : i32
    %c0_i32_0 = arith.constant 0 : i32
    %c0_i32_1 = arith.constant 0 : i32
    return %c0_i32, %c0_i32_0 : i32, i32
  }
  func.func @transform_11(%arg0: i32) -> (i32, i32) {
    %c0_i32 = arith.constant 0 : i32
    %c0_i32_0 = arith.constant 0 : i32
    %c0_i32_1 = arith.constant 0 : i32
    return %c0_i32, %c0_i32_0 : i32, i32
  }
  func.func @transform_12(%arg0: i32) -> (i32, i32) {
    %c0_i32 = arith.constant 0 : i32
    %c0_i32_0 = arith.constant 0 : i32
    %c0_i32_1 = arith.constant 0 : i32
    return %c0_i32, %c0_i32_0 : i32, i32
  }
  func.func @transform_13(%arg0: i32) -> (i32, i32) {
    %c0_i32 = arith.constant 0 : i32
    %c0_i32_0 = arith.constant 0 : i32
    %c0_i32_1 = arith.constant 0 : i32
    return %c0_i32, %c0_i32_0 : i32, i32
  }
  func.func @transform_14(%arg0: i32) -> (i32, i32) {
    %c0_i32 = arith.constant 0 : i32
    %c0_i32_0 = arith.constant 0 : i32
    %c0_i32_1 = arith.constant 0 : i32
    return %c0_i32, %c0_i32_0 : i32, i32
  }
  func.func @transform_15(%arg0: i32) -> (i32, i32) {
    %c0_i32 = arith.constant 0 : i32
    %c0_i32_0 = arith.constant 0 : i32
    return %arg0, %c0_i32 : i32, i32
  }
}

module attributes {stable_mosaic.version = 14 : i64} {
  func.func @_attn_body(%arg0: i32, %arg1: memref<512x128xf32, #tpu.memory_space<vmem>>, %arg2: memref<8192x128xf32, #tpu.memory_space<vmem>>, %arg3: memref<512x1xf32, #tpu.memory_space<vmem>>, %arg4: memref<512x16xf32, #tpu.memory_space<vmem>>, %arg5: memref<512x16xi32, #tpu.memory_space<vmem>>, %arg6: memref<1x128xf32, #tpu.memory_space<vmem>>, %arg7: memref<1x128xf32, #tpu.memory_space<vmem>>, %arg8: memref<256x256xf32, #tpu.memory_space<vmem>>, %arg9: memref<256x256xf32, #tpu.memory_space<vmem>>, %arg10: memref<256x256xf32, #tpu.memory_space<vmem>>, %arg11: memref<256x256xf32, #tpu.memory_space<vmem>>, %arg12: memref<384x128xf32, #tpu.memory_space<vmem>>, %arg13: memref<1x128xf32, #tpu.memory_space<vmem>>, %arg14: memref<128x128xf32, #tpu.memory_space<vmem>>, %arg15: memref<1x128xf32, #tpu.memory_space<vmem>>, %arg16: memref<512x128xf32, #tpu.memory_space<vmem>>) attributes {dimension_semantics = [#tpu.dimension_semantics<arbitrary>], iteration_bounds = array<i64: 16>, scalar_prefetch = 0 : i64, scratch_operands = 0 : i64, tpu.core_type = #tpu.core_type<tc>, window_params = [{transform_indices = @transform_0, window_bounds = array<i64: 512, 128>}, {transform_indices = @transform_1, window_bounds = array<i64: 8192, 128>}, {transform_indices = @transform_2, window_bounds = array<i64: 512, 1>}, {transform_indices = @transform_3, window_bounds = array<i64: 512, 16>}, {transform_indices = @transform_4, window_bounds = array<i64: 512, 16>}, {pipeline_mode = #tpu.pipeline_mode<synchronous>, transform_indices = @transform_5, window_bounds = array<i64: 1, 128>}, {pipeline_mode = #tpu.pipeline_mode<synchronous>, transform_indices = @transform_6, window_bounds = array<i64: 1, 128>}, {pipeline_mode = #tpu.pipeline_mode<synchronous>, transform_indices = @transform_7, window_bounds = array<i64: 256, 256>}, {pipeline_mode = #tpu.pipeline_mode<synchronous>, transform_indices = @transform_8, window_bounds = array<i64: 256, 256>}, {pipeline_mode = #tpu.pipeline_mode<synchronous>, transform_indices = @transform_9, window_bounds = array<i64: 256, 256>}, {pipeline_mode = #tpu.pipeline_mode<synchronous>, transform_indices = @transform_10, window_bounds = array<i64: 256, 256>}, {pipeline_mode = #tpu.pipeline_mode<synchronous>, transform_indices = @transform_11, window_bounds = array<i64: 384, 128>}, {pipeline_mode = #tpu.pipeline_mode<synchronous>, transform_indices = @transform_12, window_bounds = array<i64: 1, 128>}, {pipeline_mode = #tpu.pipeline_mode<synchronous>, transform_indices = @transform_13, window_bounds = array<i64: 128, 128>}, {pipeline_mode = #tpu.pipeline_mode<synchronous>, transform_indices = @transform_14, window_bounds = array<i64: 1, 128>}, {transform_indices = @transform_15, window_bounds = array<i64: 512, 128>}]} {
    %get3A = arith.constant 0 : index
    %get3A_0 = arith.constant 0 : index
    %get3A_1 = vector.load %arg1[%get3A, %get3A_0] : memref<512x128xf32, #tpu.memory_space<vmem>>, vector<512x128xf32>
    %get3A_2 = arith.constant 0 : index
    %get3A_3 = arith.constant 0 : index
    %get3A_4 = vector.load %arg7[%get3A_2, %get3A_3] : memref<1x128xf32, #tpu.memory_space<vmem>>, vector<1x128xf32>
    %cos3A = math.cos %get3A_4 : vector<1x128xf32>
    %broadcast_in_dim3A = vector.shape_cast %cos3A : vector<1x128xf32> to vector<1x128xf32>
    %broadcast_in_dim3A_5 = vector.broadcast %broadcast_in_dim3A : vector<1x128xf32> to vector<512x128xf32>
    %concatenate3A = tpu.concatenate %get3A_1, %broadcast_in_dim3A_5 in 1 : vector<512x128xf32>, vector<512x128xf32> -> vector<512x256xf32>
    %get3A_6 = arith.constant 0 : index
    %get3A_7 = arith.constant 0 : index
    %get3A_8 = vector.load %arg8[%get3A_6, %get3A_7] : memref<256x256xf32, #tpu.memory_space<vmem>>, vector<256x256xf32>
    %dot_general3A = arith.constant dense<0.000000e+00> : vector<512x256xf32>
    %dot_general3A_9 = tpu.matmul %concatenate3A, %get3A_8, %dot_general3A {dimension_numbers = #tpu.dot_dimension_numbers<[1], [0], [0], [1], [0, 0, 1, 1], [], []>, transpose_lhs_hint = false} : vector<512x256xf32>, vector<256x256xf32>, vector<512x256xf32> -> vector<512x256xf32>
    %get3A_10 = arith.constant 0 : index
    %get3A_11 = arith.constant 0 : index
    %get3A_12 = vector.load %arg3[%get3A_10, %get3A_11] : memref<512x1xf32, #tpu.memory_space<vmem>>, vector<512x1xf32>
    %get3A_13 = arith.constant 0 : index
    %get3A_14 = arith.constant 0 : index
    %get3A_15 = vector.load %arg4[%get3A_13, %get3A_14] : memref<512x16xf32, #tpu.memory_space<vmem>>, vector<512x16xf32>
    %sub3A = vector.broadcast %get3A_12 : vector<512x1xf32> to vector<512x16xf32>
    %sub3A_16 = arith.subf %sub3A, %get3A_15 : vector<512x16xf32>
    %broadcast_in_dim3A_17 = vector.shape_cast %sub3A_16 : vector<512x16xf32> to vector<512x16x1xf32>
    %broadcast_in_dim3A_18 = vector.broadcast %broadcast_in_dim3A_17 : vector<512x16x1xf32> to vector<512x16x128xf32>
    %get3A_19 = arith.constant 0 : index
    %get3A_20 = arith.constant 0 : index
    %get3A_21 = vector.load %arg6[%get3A_19, %get3A_20] : memref<1x128xf32, #tpu.memory_space<vmem>>, vector<1x128xf32>
    %broadcast_in_dim3A_22 = vector.shape_cast %get3A_21 : vector<1x128xf32> to vector<1x1x128xf32>
    %broadcast_in_dim3A_23 = vector.broadcast %broadcast_in_dim3A_22 : vector<1x1x128xf32> to vector<512x16x128xf32>
    %broadcast_in_dim3A_24 = vector.shape_cast %get3A_4 : vector<1x128xf32> to vector<1x1x128xf32>
    %broadcast_in_dim3A_25 = vector.broadcast %broadcast_in_dim3A_24 : vector<1x1x128xf32> to vector<512x16x128xf32>
    %mul3A = arith.mulf %broadcast_in_dim3A_18, %broadcast_in_dim3A_23 : vector<512x16x128xf32>
    %add3A = arith.addf %mul3A, %broadcast_in_dim3A_25 : vector<512x16x128xf32>
    %cos3A_26 = math.cos %add3A : vector<512x16x128xf32>
    %get3A_27 = arith.constant 0 : index
    %get3A_28 = arith.constant 0 : index
    %get3A_29 = vector.load %arg2[%get3A_27, %get3A_28] : memref<8192x128xf32, #tpu.memory_space<vmem>>, vector<8192x128xf32>
    %reshape3A = vector.shape_cast %get3A_29 : vector<8192x128xf32> to vector<512x16x128xf32>
    %concatenate3A_30 = tpu.concatenate %reshape3A, %cos3A_26 in 2 : vector<512x16x128xf32>, vector<512x16x128xf32> -> vector<512x16x256xf32>
    %reshape3A_31 = vector.shape_cast %concatenate3A_30 : vector<512x16x256xf32> to vector<8192x256xf32>
    %get3A_32 = arith.constant 0 : index
    %get3A_33 = arith.constant 0 : index
    %get3A_34 = vector.load %arg9[%get3A_32, %get3A_33] : memref<256x256xf32, #tpu.memory_space<vmem>>, vector<256x256xf32>
    %dot_general3A_35 = arith.constant dense<0.000000e+00> : vector<8192x256xf32>
    %dot_general3A_36 = tpu.matmul %reshape3A_31, %get3A_34, %dot_general3A_35 {dimension_numbers = #tpu.dot_dimension_numbers<[1], [0], [0], [1], [0, 0, 1, 1], [], []>, transpose_lhs_hint = false} : vector<8192x256xf32>, vector<256x256xf32>, vector<8192x256xf32> -> vector<8192x256xf32>
    %get3A_37 = arith.constant 0 : index
    %get3A_38 = arith.constant 0 : index
    %get3A_39 = vector.load %arg10[%get3A_37, %get3A_38] : memref<256x256xf32, #tpu.memory_space<vmem>>, vector<256x256xf32>
    %dot_general3A_40 = arith.constant dense<0.000000e+00> : vector<8192x256xf32>
    %dot_general3A_41 = tpu.matmul %reshape3A_31, %get3A_39, %dot_general3A_40 {dimension_numbers = #tpu.dot_dimension_numbers<[1], [0], [0], [1], [0, 0, 1, 1], [], []>, transpose_lhs_hint = false} : vector<8192x256xf32>, vector<256x256xf32>, vector<8192x256xf32> -> vector<8192x256xf32>
    %broadcast_in_dim3A_42 = vector.shape_cast %dot_general3A_9 : vector<512x256xf32> to vector<512x1x256xf32>
    %broadcast_in_dim3A_43 = vector.broadcast %broadcast_in_dim3A_42 : vector<512x1x256xf32> to vector<512x16x256xf32>
    %reshape3A_44 = vector.shape_cast %dot_general3A_36 : vector<8192x256xf32> to vector<512x16x256xf32>
    %mul3A_45 = arith.mulf %broadcast_in_dim3A_43, %reshape3A_44 : vector<512x16x256xf32>
    %reshape3A_46 = vector.shape_cast %dot_general3A_41 : vector<8192x256xf32> to vector<512x16x256xf32>
    %get3A_47 = arith.constant 0 : index
    %get3A_48 = arith.constant 0 : index
    %get3A_49 = vector.load %arg5[%get3A_47, %get3A_48] : memref<512x16xi32, #tpu.memory_space<vmem>>, vector<512x16xi32>
    %eq3A = arith.constant 0 : i32
    %eq3A_50 = vector.broadcast %eq3A : i32 to vector<512x16xi32>
    %eq3A_51 = arith.cmpi eq, %get3A_49, %eq3A_50 : vector<512x16xi32>
    %slice3A = vector.extract_strided_slice %mul3A_45 {offsets = [0, 0, 0], sizes = [512, 16, 64], strides = [1, 1, 1]} : vector<512x16x256xf32> to vector<512x16x64xf32>
    %reduce_sum3A = arith.constant dense<0.000000e+00> : vector<512x16xf32>
    %reduce_sum3A_52 = vector.multi_reduction <add>, %slice3A, %reduce_sum3A [2] : vector<512x16x64xf32> to vector<512x16xf32>
    %mul3A_53 = arith.constant 1.250000e-01 : f32
    %mul3A_54 = vector.broadcast %mul3A_53 : f32 to vector<512x16xf32>
    %mul3A_55 = arith.mulf %reduce_sum3A_52, %mul3A_54 : vector<512x16xf32>
    %jit3A = arith.constant -1.000000e+10 : f32
    %broadcast_in_dim3A_56 = vector.broadcast %jit3A : f32 to vector<512x16xf32>
    %select_n3A = arith.select %eq3A_51, %broadcast_in_dim3A_56, %mul3A_55 : vector<512x16xi1>, vector<512x16xf32>
    %reduce_max3A = arith.constant dense<0xFF800000> : vector<512xf32>
    %reduce_max3A_57 = vector.multi_reduction <maximumf>, %select_n3A, %reduce_max3A [1] : vector<512x16xf32> to vector<512xf32>
    %broadcast_in_dim3A_58 = vector.shape_cast %reduce_max3A_57 : vector<512xf32> to vector<512x1xf32>
    %sub3A_59 = vector.broadcast %broadcast_in_dim3A_58 : vector<512x1xf32> to vector<512x16xf32>
    %sub3A_60 = arith.subf %select_n3A, %sub3A_59 : vector<512x16xf32>
    %exp3A = math.exp %sub3A_60 : vector<512x16xf32>
    %reduce_sum3A_61 = arith.constant dense<0.000000e+00> : vector<512xf32>
    %reduce_sum3A_62 = vector.multi_reduction <add>, %exp3A, %reduce_sum3A_61 [1] : vector<512x16xf32> to vector<512xf32>
    %broadcast_in_dim3A_63 = vector.shape_cast %reduce_sum3A_62 : vector<512xf32> to vector<512x1xf32>
    %div3A = vector.broadcast %broadcast_in_dim3A_63 : vector<512x1xf32> to vector<512x16xf32>
    %div3A_64 = arith.divf %exp3A, %div3A : vector<512x16xf32>
    %slice3A_65 = vector.extract_strided_slice %reshape3A_46 {offsets = [0, 0, 0], sizes = [512, 16, 64], strides = [1, 1, 1]} : vector<512x16x256xf32> to vector<512x16x64xf32>
    %broadcast_in_dim3A_66 = vector.shape_cast %div3A_64 : vector<512x16xf32> to vector<512x16x1xf32>
    %broadcast_in_dim3A_67 = vector.broadcast %broadcast_in_dim3A_66 : vector<512x16x1xf32> to vector<512x16x64xf32>
    %mul3A_68 = arith.mulf %broadcast_in_dim3A_67, %slice3A_65 : vector<512x16x64xf32>
    %reduce_sum3A_69 = arith.constant dense<0.000000e+00> : vector<512x64xf32>
    %reduce_sum3A_70 = vector.multi_reduction <add>, %mul3A_68, %reduce_sum3A_69 [1] : vector<512x16x64xf32> to vector<512x64xf32>
    %slice3A_71 = vector.extract_strided_slice %mul3A_45 {offsets = [0, 0, 64], sizes = [512, 16, 64], strides = [1, 1, 1]} : vector<512x16x256xf32> to vector<512x16x64xf32>
    %reduce_sum3A_72 = arith.constant dense<0.000000e+00> : vector<512x16xf32>
    %reduce_sum3A_73 = vector.multi_reduction <add>, %slice3A_71, %reduce_sum3A_72 [2] : vector<512x16x64xf32> to vector<512x16xf32>
    %mul3A_74 = arith.constant 1.250000e-01 : f32
    %mul3A_75 = vector.broadcast %mul3A_74 : f32 to vector<512x16xf32>
    %mul3A_76 = arith.mulf %reduce_sum3A_73, %mul3A_75 : vector<512x16xf32>
    %jit3A_77 = arith.constant -1.000000e+10 : f32
    %broadcast_in_dim3A_78 = vector.broadcast %jit3A_77 : f32 to vector<512x16xf32>
    %select_n3A_79 = arith.select %eq3A_51, %broadcast_in_dim3A_78, %mul3A_76 : vector<512x16xi1>, vector<512x16xf32>
    %reduce_max3A_80 = arith.constant dense<0xFF800000> : vector<512xf32>
    %reduce_max3A_81 = vector.multi_reduction <maximumf>, %select_n3A_79, %reduce_max3A_80 [1] : vector<512x16xf32> to vector<512xf32>
    %broadcast_in_dim3A_82 = vector.shape_cast %reduce_max3A_81 : vector<512xf32> to vector<512x1xf32>
    %sub3A_83 = vector.broadcast %broadcast_in_dim3A_82 : vector<512x1xf32> to vector<512x16xf32>
    %sub3A_84 = arith.subf %select_n3A_79, %sub3A_83 : vector<512x16xf32>
    %exp3A_85 = math.exp %sub3A_84 : vector<512x16xf32>
    %reduce_sum3A_86 = arith.constant dense<0.000000e+00> : vector<512xf32>
    %reduce_sum3A_87 = vector.multi_reduction <add>, %exp3A_85, %reduce_sum3A_86 [1] : vector<512x16xf32> to vector<512xf32>
    %broadcast_in_dim3A_88 = vector.shape_cast %reduce_sum3A_87 : vector<512xf32> to vector<512x1xf32>
    %div3A_89 = vector.broadcast %broadcast_in_dim3A_88 : vector<512x1xf32> to vector<512x16xf32>
    %div3A_90 = arith.divf %exp3A_85, %div3A_89 : vector<512x16xf32>
    %slice3A_91 = vector.extract_strided_slice %reshape3A_46 {offsets = [0, 0, 64], sizes = [512, 16, 64], strides = [1, 1, 1]} : vector<512x16x256xf32> to vector<512x16x64xf32>
    %broadcast_in_dim3A_92 = vector.shape_cast %div3A_90 : vector<512x16xf32> to vector<512x16x1xf32>
    %broadcast_in_dim3A_93 = vector.broadcast %broadcast_in_dim3A_92 : vector<512x16x1xf32> to vector<512x16x64xf32>
    %mul3A_94 = arith.mulf %broadcast_in_dim3A_93, %slice3A_91 : vector<512x16x64xf32>
    %reduce_sum3A_95 = arith.constant dense<0.000000e+00> : vector<512x64xf32>
    %reduce_sum3A_96 = vector.multi_reduction <add>, %mul3A_94, %reduce_sum3A_95 [1] : vector<512x16x64xf32> to vector<512x64xf32>
    %slice3A_97 = vector.extract_strided_slice %mul3A_45 {offsets = [0, 0, 128], sizes = [512, 16, 64], strides = [1, 1, 1]} : vector<512x16x256xf32> to vector<512x16x64xf32>
    %reduce_sum3A_98 = arith.constant dense<0.000000e+00> : vector<512x16xf32>
    %reduce_sum3A_99 = vector.multi_reduction <add>, %slice3A_97, %reduce_sum3A_98 [2] : vector<512x16x64xf32> to vector<512x16xf32>
    %mul3A_100 = arith.constant 1.250000e-01 : f32
    %mul3A_101 = vector.broadcast %mul3A_100 : f32 to vector<512x16xf32>
    %mul3A_102 = arith.mulf %reduce_sum3A_99, %mul3A_101 : vector<512x16xf32>
    %jit3A_103 = arith.constant -1.000000e+10 : f32
    %broadcast_in_dim3A_104 = vector.broadcast %jit3A_103 : f32 to vector<512x16xf32>
    %select_n3A_105 = arith.select %eq3A_51, %broadcast_in_dim3A_104, %mul3A_102 : vector<512x16xi1>, vector<512x16xf32>
    %reduce_max3A_106 = arith.constant dense<0xFF800000> : vector<512xf32>
    %reduce_max3A_107 = vector.multi_reduction <maximumf>, %select_n3A_105, %reduce_max3A_106 [1] : vector<512x16xf32> to vector<512xf32>
    %broadcast_in_dim3A_108 = vector.shape_cast %reduce_max3A_107 : vector<512xf32> to vector<512x1xf32>
    %sub3A_109 = vector.broadcast %broadcast_in_dim3A_108 : vector<512x1xf32> to vector<512x16xf32>
    %sub3A_110 = arith.subf %select_n3A_105, %sub3A_109 : vector<512x16xf32>
    %exp3A_111 = math.exp %sub3A_110 : vector<512x16xf32>
    %reduce_sum3A_112 = arith.constant dense<0.000000e+00> : vector<512xf32>
    %reduce_sum3A_113 = vector.multi_reduction <add>, %exp3A_111, %reduce_sum3A_112 [1] : vector<512x16xf32> to vector<512xf32>
    %broadcast_in_dim3A_114 = vector.shape_cast %reduce_sum3A_113 : vector<512xf32> to vector<512x1xf32>
    %div3A_115 = vector.broadcast %broadcast_in_dim3A_114 : vector<512x1xf32> to vector<512x16xf32>
    %div3A_116 = arith.divf %exp3A_111, %div3A_115 : vector<512x16xf32>
    %slice3A_117 = vector.extract_strided_slice %reshape3A_46 {offsets = [0, 0, 128], sizes = [512, 16, 64], strides = [1, 1, 1]} : vector<512x16x256xf32> to vector<512x16x64xf32>
    %broadcast_in_dim3A_118 = vector.shape_cast %div3A_116 : vector<512x16xf32> to vector<512x16x1xf32>
    %broadcast_in_dim3A_119 = vector.broadcast %broadcast_in_dim3A_118 : vector<512x16x1xf32> to vector<512x16x64xf32>
    %mul3A_120 = arith.mulf %broadcast_in_dim3A_119, %slice3A_117 : vector<512x16x64xf32>
    %reduce_sum3A_121 = arith.constant dense<0.000000e+00> : vector<512x64xf32>
    %reduce_sum3A_122 = vector.multi_reduction <add>, %mul3A_120, %reduce_sum3A_121 [1] : vector<512x16x64xf32> to vector<512x64xf32>
    %slice3A_123 = vector.extract_strided_slice %mul3A_45 {offsets = [0, 0, 192], sizes = [512, 16, 64], strides = [1, 1, 1]} : vector<512x16x256xf32> to vector<512x16x64xf32>
    %reduce_sum3A_124 = arith.constant dense<0.000000e+00> : vector<512x16xf32>
    %reduce_sum3A_125 = vector.multi_reduction <add>, %slice3A_123, %reduce_sum3A_124 [2] : vector<512x16x64xf32> to vector<512x16xf32>
    %mul3A_126 = arith.constant 1.250000e-01 : f32
    %mul3A_127 = vector.broadcast %mul3A_126 : f32 to vector<512x16xf32>
    %mul3A_128 = arith.mulf %reduce_sum3A_125, %mul3A_127 : vector<512x16xf32>
    %jit3A_129 = arith.constant -1.000000e+10 : f32
    %broadcast_in_dim3A_130 = vector.broadcast %jit3A_129 : f32 to vector<512x16xf32>
    %select_n3A_131 = arith.select %eq3A_51, %broadcast_in_dim3A_130, %mul3A_128 : vector<512x16xi1>, vector<512x16xf32>
    %reduce_max3A_132 = arith.constant dense<0xFF800000> : vector<512xf32>
    %reduce_max3A_133 = vector.multi_reduction <maximumf>, %select_n3A_131, %reduce_max3A_132 [1] : vector<512x16xf32> to vector<512xf32>
    %broadcast_in_dim3A_134 = vector.shape_cast %reduce_max3A_133 : vector<512xf32> to vector<512x1xf32>
    %sub3A_135 = vector.broadcast %broadcast_in_dim3A_134 : vector<512x1xf32> to vector<512x16xf32>
    %sub3A_136 = arith.subf %select_n3A_131, %sub3A_135 : vector<512x16xf32>
    %exp3A_137 = math.exp %sub3A_136 : vector<512x16xf32>
    %reduce_sum3A_138 = arith.constant dense<0.000000e+00> : vector<512xf32>
    %reduce_sum3A_139 = vector.multi_reduction <add>, %exp3A_137, %reduce_sum3A_138 [1] : vector<512x16xf32> to vector<512xf32>
    %broadcast_in_dim3A_140 = vector.shape_cast %reduce_sum3A_139 : vector<512xf32> to vector<512x1xf32>
    %div3A_141 = vector.broadcast %broadcast_in_dim3A_140 : vector<512x1xf32> to vector<512x16xf32>
    %div3A_142 = arith.divf %exp3A_137, %div3A_141 : vector<512x16xf32>
    %slice3A_143 = vector.extract_strided_slice %reshape3A_46 {offsets = [0, 0, 192], sizes = [512, 16, 64], strides = [1, 1, 1]} : vector<512x16x256xf32> to vector<512x16x64xf32>
    %broadcast_in_dim3A_144 = vector.shape_cast %div3A_142 : vector<512x16xf32> to vector<512x16x1xf32>
    %broadcast_in_dim3A_145 = vector.broadcast %broadcast_in_dim3A_144 : vector<512x16x1xf32> to vector<512x16x64xf32>
    %mul3A_146 = arith.mulf %broadcast_in_dim3A_145, %slice3A_143 : vector<512x16x64xf32>
    %reduce_sum3A_147 = arith.constant dense<0.000000e+00> : vector<512x64xf32>
    %reduce_sum3A_148 = vector.multi_reduction <add>, %mul3A_146, %reduce_sum3A_147 [1] : vector<512x16x64xf32> to vector<512x64xf32>
    %concatenate3A_149 = tpu.concatenate %reduce_sum3A_70, %reduce_sum3A_96, %reduce_sum3A_122, %reduce_sum3A_148 in 1 : vector<512x64xf32>, vector<512x64xf32>, vector<512x64xf32>, vector<512x64xf32> -> vector<512x256xf32>
    %get3A_150 = arith.constant 0 : index
    %get3A_151 = arith.constant 0 : index
    %get3A_152 = vector.load %arg11[%get3A_150, %get3A_151] : memref<256x256xf32, #tpu.memory_space<vmem>>, vector<256x256xf32>
    %dot_general3A_153 = arith.constant dense<0.000000e+00> : vector<512x256xf32>
    %dot_general3A_154 = tpu.matmul %concatenate3A_149, %get3A_152, %dot_general3A_153 {dimension_numbers = #tpu.dot_dimension_numbers<[1], [0], [0], [1], [0, 0, 1, 1], [], []>, transpose_lhs_hint = false} : vector<512x256xf32>, vector<256x256xf32>, vector<512x256xf32> -> vector<512x256xf32>
    %concatenate3A_155 = tpu.concatenate %dot_general3A_154, %get3A_1 in 1 : vector<512x256xf32>, vector<512x128xf32> -> vector<512x384xf32>
    %get3A_156 = arith.constant 0 : index
    %get3A_157 = arith.constant 0 : index
    %get3A_158 = vector.load %arg12[%get3A_156, %get3A_157] : memref<384x128xf32, #tpu.memory_space<vmem>>, vector<384x128xf32>
    %dot_general3A_159 = arith.constant dense<0.000000e+00> : vector<512x128xf32>
    %dot_general3A_160 = tpu.matmul %concatenate3A_155, %get3A_158, %dot_general3A_159 {dimension_numbers = #tpu.dot_dimension_numbers<[1], [0], [0], [1], [0, 0, 1, 1], [], []>, transpose_lhs_hint = false} : vector<512x384xf32>, vector<384x128xf32>, vector<512x128xf32> -> vector<512x128xf32>
    %get3A_161 = arith.constant 0 : index
    %get3A_162 = arith.constant 0 : index
    %get3A_163 = vector.load %arg13[%get3A_161, %get3A_162] : memref<1x128xf32, #tpu.memory_space<vmem>>, vector<1x128xf32>
    %add3A_164 = vector.broadcast %get3A_163 : vector<1x128xf32> to vector<512x128xf32>
    %add3A_165 = arith.addf %dot_general3A_160, %add3A_164 : vector<512x128xf32>
    %max3A = arith.constant 0.000000e+00 : f32
    %max3A_166 = vector.broadcast %max3A : f32 to vector<512x128xf32>
    %max3A_167 = arith.maximumf %add3A_165, %max3A_166 : vector<512x128xf32>
    %get3A_168 = arith.constant 0 : index
    %get3A_169 = arith.constant 0 : index
    %get3A_170 = vector.load %arg14[%get3A_168, %get3A_169] : memref<128x128xf32, #tpu.memory_space<vmem>>, vector<128x128xf32>
    %dot_general3A_171 = arith.constant dense<0.000000e+00> : vector<512x128xf32>
    %dot_general3A_172 = tpu.matmul %max3A_167, %get3A_170, %dot_general3A_171 {dimension_numbers = #tpu.dot_dimension_numbers<[1], [0], [0], [1], [0, 0, 1, 1], [], []>, transpose_lhs_hint = false} : vector<512x128xf32>, vector<128x128xf32>, vector<512x128xf32> -> vector<512x128xf32>
    %get3A_173 = arith.constant 0 : index
    %get3A_174 = arith.constant 0 : index
    %get3A_175 = vector.load %arg15[%get3A_173, %get3A_174] : memref<1x128xf32, #tpu.memory_space<vmem>>, vector<1x128xf32>
    %add3A_176 = vector.broadcast %get3A_175 : vector<1x128xf32> to vector<512x128xf32>
    %add3A_177 = arith.addf %dot_general3A_172, %add3A_176 : vector<512x128xf32>
    %swap3A = arith.constant 0 : index
    %swap3A_178 = arith.constant 0 : index
    %swap3A_179 = vector.load %arg16[%swap3A, %swap3A_178] : memref<512x128xf32, #tpu.memory_space<vmem>>, vector<512x128xf32>
    tpu.vector_store %arg16[%swap3A, %swap3A_178], %add3A_177 {strides = array<i32>} : memref<512x128xf32, #tpu.memory_space<vmem>>, vector<512x128xf32>,
    return
  }
  func.func @transform_0(%arg0: i32) -> (i32, i32) {
    %c0_i32 = arith.constant 0 : i32
    %c0_i32_0 = arith.constant 0 : i32
    return %arg0, %c0_i32 : i32, i32
  }
  func.func @transform_1(%arg0: i32) -> (i32, i32) {
    %c0_i32 = arith.constant 0 : i32
    %c0_i32_0 = arith.constant 0 : i32
    return %arg0, %c0_i32 : i32, i32
  }
  func.func @transform_2(%arg0: i32) -> (i32, i32) {
    %c0_i32 = arith.constant 0 : i32
    %c0_i32_0 = arith.constant 0 : i32
    return %arg0, %c0_i32 : i32, i32
  }
  func.func @transform_3(%arg0: i32) -> (i32, i32) {
    %c0_i32 = arith.constant 0 : i32
    %c0_i32_0 = arith.constant 0 : i32
    return %arg0, %c0_i32 : i32, i32
  }
  func.func @transform_4(%arg0: i32) -> (i32, i32) {
    %c0_i32 = arith.constant 0 : i32
    %c0_i32_0 = arith.constant 0 : i32
    return %arg0, %c0_i32 : i32, i32
  }
  func.func @transform_5(%arg0: i32) -> (i32, i32) {
    %c0_i32 = arith.constant 0 : i32
    %c0_i32_0 = arith.constant 0 : i32
    %c0_i32_1 = arith.constant 0 : i32
    return %c0_i32, %c0_i32_0 : i32, i32
  }
  func.func @transform_6(%arg0: i32) -> (i32, i32) {
    %c0_i32 = arith.constant 0 : i32
    %c0_i32_0 = arith.constant 0 : i32
    %c0_i32_1 = arith.constant 0 : i32
    return %c0_i32, %c0_i32_0 : i32, i32
  }
  func.func @transform_7(%arg0: i32) -> (i32, i32) {
    %c0_i32 = arith.constant 0 : i32
    %c0_i32_0 = arith.constant 0 : i32
    %c0_i32_1 = arith.constant 0 : i32
    return %c0_i32, %c0_i32_0 : i32, i32
  }
  func.func @transform_8(%arg0: i32) -> (i32, i32) {
    %c0_i32 = arith.constant 0 : i32
    %c0_i32_0 = arith.constant 0 : i32
    %c0_i32_1 = arith.constant 0 : i32
    return %c0_i32, %c0_i32_0 : i32, i32
  }
  func.func @transform_9(%arg0: i32) -> (i32, i32) {
    %c0_i32 = arith.constant 0 : i32
    %c0_i32_0 = arith.constant 0 : i32
    %c0_i32_1 = arith.constant 0 : i32
    return %c0_i32, %c0_i32_0 : i32, i32
  }
  func.func @transform_10(%arg0: i32) -> (i32, i32) {
    %c0_i32 = arith.constant 0 : i32
    %c0_i32_0 = arith.constant 0 : i32
    %c0_i32_1 = arith.constant 0 : i32
    return %c0_i32, %c0_i32_0 : i32, i32
  }
  func.func @transform_11(%arg0: i32) -> (i32, i32) {
    %c0_i32 = arith.constant 0 : i32
    %c0_i32_0 = arith.constant 0 : i32
    %c0_i32_1 = arith.constant 0 : i32
    return %c0_i32, %c0_i32_0 : i32, i32
  }
  func.func @transform_12(%arg0: i32) -> (i32, i32) {
    %c0_i32 = arith.constant 0 : i32
    %c0_i32_0 = arith.constant 0 : i32
    %c0_i32_1 = arith.constant 0 : i32
    return %c0_i32, %c0_i32_0 : i32, i32
  }
  func.func @transform_13(%arg0: i32) -> (i32, i32) {
    %c0_i32 = arith.constant 0 : i32
    %c0_i32_0 = arith.constant 0 : i32
    %c0_i32_1 = arith.constant 0 : i32
    return %c0_i32, %c0_i32_0 : i32, i32
  }
  func.func @transform_14(%arg0: i32) -> (i32, i32) {
    %c0_i32 = arith.constant 0 : i32
    %c0_i32_0 = arith.constant 0 : i32
    %c0_i32_1 = arith.constant 0 : i32
    return %c0_i32, %c0_i32_0 : i32, i32
  }
  func.func @transform_15(%arg0: i32) -> (i32, i32) {
    %c0_i32 = arith.constant 0 : i32
    %c0_i32_0 = arith.constant 0 : i32
    return %arg0, %c0_i32 : i32, i32
  }
}

module attributes {stable_mosaic.version = 14 : i64} {
  func.func @_score_body(%arg0: memref<256x128xf32, #tpu.memory_space<vmem>>, %arg1: memref<256x128xf32, #tpu.memory_space<vmem>>, %arg2: memref<256x128xf32, #tpu.memory_space<vmem>>, %arg3: memref<1x128xf32, #tpu.memory_space<vmem>>, %arg4: memref<128x128xf32, #tpu.memory_space<vmem>>, %arg5: memref<1x128xf32, #tpu.memory_space<vmem>>, %arg6: memref<256x128xf32, #tpu.memory_space<vmem>>) attributes {dimension_semantics = [], scalar_prefetch = 0 : i64, scratch_operands = 0 : i64, tpu.core_type = #tpu.core_type<tc>} {
    %get3A = arith.constant 0 : index
    %get3A_0 = arith.constant 0 : index
    %get3A_1 = vector.load %arg0[%get3A, %get3A_0] : memref<256x128xf32, #tpu.memory_space<vmem>>, vector<256x128xf32>
    %get3A_2 = arith.constant 0 : index
    %get3A_3 = arith.constant 0 : index
    %get3A_4 = vector.load %arg1[%get3A_2, %get3A_3] : memref<256x128xf32, #tpu.memory_space<vmem>>, vector<256x128xf32>
    %concatenate3A = tpu.concatenate %get3A_1, %get3A_4 in 1 : vector<256x128xf32>, vector<256x128xf32> -> vector<256x256xf32>
    %get3A_5 = arith.constant 0 : index
    %get3A_6 = arith.constant 0 : index
    %get3A_7 = vector.load %arg2[%get3A_5, %get3A_6] : memref<256x128xf32, #tpu.memory_space<vmem>>, vector<256x128xf32>
    %dot_general3A = arith.constant dense<0.000000e+00> : vector<256x128xf32>
    %dot_general3A_8 = tpu.matmul %concatenate3A, %get3A_7, %dot_general3A {dimension_numbers = #tpu.dot_dimension_numbers<[1], [0], [0], [1], [0, 0, 1, 1], [], []>, transpose_lhs_hint = false} : vector<256x256xf32>, vector<256x128xf32>, vector<256x128xf32> -> vector<256x128xf32>
    %get3A_9 = arith.constant 0 : index
    %get3A_10 = arith.constant 0 : index
    %get3A_11 = vector.load %arg3[%get3A_9, %get3A_10] : memref<1x128xf32, #tpu.memory_space<vmem>>, vector<1x128xf32>
    %add3A = vector.broadcast %get3A_11 : vector<1x128xf32> to vector<256x128xf32>
    %add3A_12 = arith.addf %dot_general3A_8, %add3A : vector<256x128xf32>
    %max3A = arith.constant 0.000000e+00 : f32
    %max3A_13 = vector.broadcast %max3A : f32 to vector<256x128xf32>
    %max3A_14 = arith.maximumf %add3A_12, %max3A_13 : vector<256x128xf32>
    %get3A_15 = arith.constant 0 : index
    %get3A_16 = arith.constant 0 : index
    %get3A_17 = vector.load %arg4[%get3A_15, %get3A_16] : memref<128x128xf32, #tpu.memory_space<vmem>>, vector<128x128xf32>
    %dot_general3A_18 = arith.constant dense<0.000000e+00> : vector<256x128xf32>
    %dot_general3A_19 = tpu.matmul %max3A_14, %get3A_17, %dot_general3A_18 {dimension_numbers = #tpu.dot_dimension_numbers<[1], [0], [0], [1], [0, 0, 1, 1], [], []>, transpose_lhs_hint = false} : vector<256x128xf32>, vector<128x128xf32>, vector<256x128xf32> -> vector<256x128xf32>
    %get3A_20 = arith.constant 0 : index
    %get3A_21 = arith.constant 0 : index
    %get3A_22 = vector.load %arg5[%get3A_20, %get3A_21] : memref<1x128xf32, #tpu.memory_space<vmem>>, vector<1x128xf32>
    %add3A_23 = vector.broadcast %get3A_22 : vector<1x128xf32> to vector<256x128xf32>
    %add3A_24 = arith.addf %dot_general3A_19, %add3A_23 : vector<256x128xf32>
    %swap3A = arith.constant 0 : index
    %swap3A_25 = arith.constant 0 : index
    %swap3A_26 = vector.load %arg6[%swap3A, %swap3A_25] : memref<256x128xf32, #tpu.memory_space<vmem>>, vector<256x128xf32>
    tpu.vector_store %arg6[%swap3A, %swap3A_25], %add3A_24 {strides = array<i32>} : memref<256x128xf32, #tpu.memory_space<vmem>>, vector<256x128xf32>,
    return
  }
}

</mosaic_0001>

<sc_bundles>
// kernel: kernel.12.cloned.1.call-start
scs
__scs_entry_jumppad:
0x0: {  	(pc) =	sbr.rel $0x88, $3  }
0x1: {  	(tag) =	ssettag $0x0;
	lr =	simm.s32 $0x1  }
0x2: {  	[smem:$0x3F84] =	sst lr;
	_ =	strace $0xD0000000  }
0x3: {  	_ = 	snop  }
0x4: {  	_ = 	snop  }
0x5: {  	_ = 	snop  }
0x6: {  	_ = 	snop  }
0x7: {  	_ = 	snop  }
__scs_overlays_trampoline_lowered:
0x8: {  	[smem:$0x3F93] =	sst s0  }
0x9: {  	[smem:$0x3F94] =	sst s1  }
0xa: {  	[smem:$0x3F95] =	sst s2  }
0xb: {  	[smem:$0x3F96] =	sst s3  }
0xc: {  	[smem:$0x3F97] =	sst s4  }
0xd: {  	[smem:$0x3F98] =	sst s5  }
0xe: {  	[smem:$0x3F99] =	sst s6  }
0xf: {  	[smem:$0x3F9A] =	sst s7  }
0x10: {  	[smem:$0x3F9B] =	sst s8  }
0x11: {  	[smem:$0x3F9C] =	sst s9;
	s0 =	simm.s32 @!p0 $0x0  }
0x12: {  	s1 =	sld [smem:$0x3F82];
	s0 =	simm.s32 @p0 $0x1  }
0x13: {  	[smem:$0x3F9D] =	sst s0;
	s0 =	simm.s32 @!p1 $0x0  }
0x14: {  	s2 =	sld [smem:$0x3F81];
	s0 =	simm.s32 @p1 $0x1  }
0x15: {  	[smem:$0x3F9E] =	sst s0;
	s0 =	simm.s32 @!p2 $0x0  }
0x16: {  	s3 =	sld [smem:$0x3FDB];
	s0 =	simm.s32 @p2 $0x1  }
0x17: {  	s4 =	simm.s32 $0x1BF5;
	[smem:$0x3FA0] =	sst s0  }
0x18: {  	s0 =	sld [smem:$0x3F83];
	_ =	swait.ge [sflag:s4], $0x0  }
0x19: {  	s7 =	sld [smem:$0x3F84]  }
0x1a: {  	s8 =	sadd.s32 $0xFFFFE003, lr  }
0x1b: {  	s9 =	sadd.s32 $0xFFFFFEF7, lr;
	s5 =	simm.s32 $0xFFFFFFFF;
	p2 =	slt.u32 s8, $0xFFFFF086  }
0x1c: {  	p1 =	slt.u32 s9, $0xF7A;
	s5 =	simm.s32 @!p2 $0x0  }
0x1d: {  	s5 =	simm.s32 @p1 $0x1;
	p0 =	seq.s32 s7, s2  }
0x1e: {  	s7 =	smul.u32 @!p0 $0xF7A, s2;
	p2 =	seq.s32 @!p0 s5, $0x0  }
0x1f: {  	s9 =	smul.u32 $0xF7A, s1;
	s8 =	simm.s32 @!p0 $0x1BF5;
	p2 =	por !p2, p0  }
0x20: {  	[sflag:s8] =	ssyncset.s32 @!p0 $0xFFFFF086;
	s6 =	sadd.s32 @!p0 s3, s7;
	s7 =	simm.s32 @!p0 $0x108  }
0x21: {  	s3 =	sadd.s32 s3, s9;
	s6 =	sadd.s32 @!p0 $0x88, s6;
	s7 =	simm.s32 @p2 $0x1082  }
0x22: {  	[simem:s7], [sflag:s8] =	dma.local @!p0 [hbm:s6], $0xF7A  }
0x23: {  	s9 =	sor.u32 $0xD0000000, s2;
	s6 =	simm.s32 $0x108;
	_ =	swait.ge @!p0 [sflag:s8], $0x0  }
0x24: {  	s3 =	sadd.s32 $0x88, s3;
	s6 =	simm.s32 @!p1 $0x1082;
	[sflag:s4] =	ssyncset.s32 $0xFFFFF086  }
0x25: {  	[simem:s6], [sflag:s4] =	dma.local [hbm:s3], $0xF7A  }
0x26: {  	[smem:$0x3F84] =	sst s1;
	(tag) =	ssettag s2;
	_ =	strace s9  }
0x27: {  	s1 =	sld [smem:$0x3F94]  }
0x28: {  	s2 =	sld [smem:$0x3F95]  }
0x29: {  	s4 =	sld [smem:$0x3F97]  }
0x2a: {  	p0 =	seq.s32 s5, $0x0;
	s5 =	sld [smem:$0x3F98]  }
0x2b: {  	s6 =	sld [smem:$0x3F99]  }
0x2c: {  	s7 =	sld [smem:$0x3F9A]  }
0x2d: {  	s3 =	simm.s32 $0x108;
	s8 =	sld [smem:$0x3F9B]  }
0x2e: {  	s3 =	simm.s32 @!p0 $0x1082;
	s9 =	sld [smem:$0x3F9C]  }
0x2f: {  	lr =	sadd.s32 s0, s3;
	s0 =	sld [smem:$0x3F93]  }
0x30: {  	s3 =	sld [smem:$0x3F96]  }
0x31: {  	[smem:$0x3F9F] =	sst s10  }
0x32: {  	s10 =	sld [smem:$0x3F9D];
	_ =	sdelay $0x3  }
0x33: {  	p0 =	seq.s32 s10, $0x1;
	s10 =	sld [smem:$0x3F9F];
	_ =	sdelay $0x3  }
0x34: {  	[smem:$0x3F9F] =	sst s10  }
0x35: {  	s10 =	sld [smem:$0x3F9E];
	_ =	sdelay $0x3  }
0x36: {  	p1 =	seq.s32 s10, $0x1;
	s10 =	sld [smem:$0x3F9F];
	_ =	sdelay $0x3  }
0x37: {  	[smem:$0x3F9F] =	sst s10  }
0x38: {  	s10 =	sld [smem:$0x3FA0]  }
0x39: {  	_ = 	snop;
	(pc) =	sbr.ind lr, $3  }
0x3a: {  	_ = 	snop  }
0x3b: {  	_ = 	snop  }
0x3c: {  	p2 =	seq.s32 s10, $0x1;
	s10 =	sld [smem:$0x3F9F]  }
0x3d: {  	_ =	shalt  }
0x3e: {  	_ =	shalt  }
0x3f: {  	_ =	shalt  }
0x40: {  	_ =	shalt  }
0x41: {  	_ =	shalt  }
0x42: {  	_ =	shalt  }
0x43: {  	_ =	shalt  }
0x44: {  	_ =	shalt  }
0x45: {  	_ =	shalt  }
0x46: {  	_ =	shalt  }
0x47: {  	_ =	shalt  }
0x48: {  	_ =	shalt  }
0x49: {  	_ =	shalt  }
0x4a: {  	_ =	shalt  }
0x4b: {  	_ =	shalt  }
0x4c: {  	_ =	shalt  }
0x4d: {  	_ =	shalt  }
0x4e: {  	_ =	shalt  }
0x4f: {  	_ =	shalt  }
0x50: {  	_ =	shalt  }
0x51: {  	_ =	shalt  }
0x52: {  	_ =	shalt  }
0x53: {  	_ =	shalt  }
0x54: {  	_ =	shalt  }
0x55: {  	_ =	shalt  }
0x56: {  	_ =	shalt  }
0x57: {  	_ =	shalt  }
0x58: {  	_ =	shalt  }
0x59: {  	_ =	shalt  }
0x5a: {  	_ =	shalt  }
0x5b: {  	_ =	shalt  }
0x5c: {  	_ =	shalt  }
0x5d: {  	_ =	shalt  }
0x5e: {  	_ =	shalt  }
0x5f: {  	_ =	shalt  }
0x60: {  	_ =	shalt  }
0x61: {  	_ =	shalt  }
0x62: {  	_ =	shalt  }
0x63: {  	_ =	shalt  }
0x64: {  	_ =	shalt  }
0x65: {  	_ =	shalt  }
0x66: {  	_ =	shalt  }
0x67: {  	_ =	shalt  }
0x68: {  	_ =	shalt  }
0x69: {  	_ =	shalt  }
0x6a: {  	_ =	shalt  }
0x6b: {  	_ =	shalt  }
0x6c: {  	_ =	shalt  }
0x6d: {  	_ =	shalt  }
0x6e: {  	_ =	shalt  }
0x6f: {  	_ =	shalt  }
0x70: {  	_ =	shalt  }
0x71: {  	_ =	shalt  }
0x72: {  	_ =	shalt  }
0x73: {  	_ =	shalt  }
0x74: {  	_ =	shalt  }
0x75: {  	_ =	shalt  }
0x76: {  	_ =	shalt  }
0x77: {  	_ =	shalt  }
0x78: {  	_ =	shalt  }
0x79: {  	_ =	shalt  }
0x7a: {  	_ =	shalt  }
0x7b: {  	_ =	shalt  }
0x7c: {  	_ =	shalt  }
0x7d: {  	_ =	shalt  }
0x7e: {  	_ =	shalt  }
0x7f: {  	_ =	shalt  }
0x80: {  	_ =	shalt  }
0x81: {  	_ =	shalt  }
0x82: {  	_ =	shalt  }
0x83: {  	_ =	shalt  }
0x84: {  	_ =	shalt  }
0x85: {  	_ =	shalt  }
0x86: {  	_ =	shalt  }
0x87: {  	_ =	shalt  }
.Lfunc_end0:
.L_simem_size_0:
called_computation.1_lowered:
.L_overlay_start_0:
0x88: {  	s2 =	sld [smem:$0x3FD9]  }
0x89: {  	s3 =	sld [smem:$0x3FFE];
	_ =	sdelay $0x1  }
0x8a: {  	s1 =	srdreg.scid  }
0x8b: {  	s0 =	sand.u32 $0x1, s1  }
0x8c: {  	s17 =	sshll.u32 s0, $0xA;
	s2 =	sadd.s32 s3, s2  }
0x8d: {  	s2 =	sadd.s32 s2, s17  }
0x8e: {  	[smem:$0x3FAB] =	sst s2  }
0x8f: {  	_ = 	snop  }
0x90: {  	s2 =	sld [smem:$0x3FC5];
	(tm) =	ssettm $0x1  }
0x91: {  	s18 =	sld [smem:$0x3FFB];
	_ =	sdelay $0x3  }
0x92: {  	_ =	strace s18  }
0x93: {  	s3 =	sld [smem:$0x3FFC];
	_ =	sdelay $0x3  }
0x94: {  	_ =	strace s3  }
0x95: {  	s3 =	sld [smem:$0x3FFD];
	_ =	sdelay $0x3  }
0x96: {  	_ =	strace s3  }
0x97: {  	_ =	strace $0x8FFFFFFF  }
0x98: {  	s19 =	sld [smem:$0x3FDB];
	_ =	sdelay $0x1  }
0x99: {  	s4 =	simm.s32 $_scs_section_size  }
0x9a: {  	s5 =	simm.s32 $_size__tile_overlayer_lowered;
	s6 =	simm.s32 $_tile_overlayer_lowered  }
0x9b: {  	s22 =	simm.s32 $0x1BFF;
	s21 =	sshll.u32 s6, $0x1;
	s3 =	sadd.s32 s4, s19  }
0x9c: {  	s7 =	simm.s32 $0x0;
	s20 =	sshll.u32 s5, $0x1;
	s5 =	sadd.s32 s21, s3  }
0x9d: {  	[timem:s7], [sflag:s22] =	dma.local [hbm:s5], s20  }
0x9e: {  	_ =	swait.ge [sflag:s22], s20  }
0x9f: {  	s4 =	ssub.s32 $0x0, s20;
	[sflag:s22] =	ssyncset.done $0x0  }
0xa0: {  	[sflag:s22] =	ssyncadd.s32 s4;
	_ =	sdelay $0x1  }
0xa1: {  	s23 =	simm.s32 $0x1B8B  }
0xa2: {  	_ =	swait.ge [sflag:s23], $0x1  }
0xa3: {  	[sflag:s23] =	ssyncset.done $0x0  }
0xa4: {  	s25 =	simm.s32 $0x1B8E;
	s24 =	sld [smem:$0x3FFE];
	[sflag:s23] =	ssyncadd.s32 $0xFFFFFFFF  }
0xa5: {  	s26 =	simm.s32 $execute0_lowered;
	[smem:$0x3FD2] =	sst s25  }
0xa6: {  	s5 =	sshll.u32 s26, $0x1;
	_ =	strace $0x80000049;
	[dreg:$0x1] =	wrdreg $0xFFFFFFFF  }
0xa7: {  	s28 =	simm.s32 $_size_execute0_lowered;
	s3 =	sadd.s32 s3, s5;
	[dreg:$0x0] =	wrdreg $0x0  }
0xa8: {  	s5 =	sshll.u32 s28, $0x1;
	[dreg:$0x2] =	wrdreg s3  }
0xa9: {  	[dreg:$0x3] =	wrdreg s5  }
0xaa: {  	[dreg:$0x4] =	wrdreg $0xC0  }
0xab: {  	_ =	task [dreg:s7], $0x5FFFF  }
0xac: {  	[dreg:$0x1] =	wrdreg $0xFFFFFFFF  }
0xad: {  	[dreg:$0x0] =	wrdreg $0x60  }
0xae: {  	[dreg:$0x2] =	wrdreg s24  }
0xaf: {  	[dreg:$0x3] =	wrdreg s2  }
0xb0: {  	[dreg:$0x4] =	wrdreg $0x9  }
0xb1: {  	_ =	task.clear_ibuf [dreg:s7], $0x5FFFF;
	_ =	strace $0x90000049  }
0xb2: {  	s29 =	simm.s32 $0x9;
	_ =	strace $0x8000004B  }
0xb3: {  	_ =	swait.ge [sflag:s29], $0x1  }
0xb4: {  	[sflag:s29] =	ssyncadd.s32 $0xFFFFFFFF  }
0xb5: {  	_ =	strace $0x9000004B  }
0xb6: {  	_ =	sfence  }
0xb7: {  	s30 =	sld [smem:$0x0];
	_ =	sdelay $0x2  }
0xb8: {  	s31 =	sshll.u32 s1, $0xD;
	s1 =	sshrl.u32 s1, $0x2  }
0xb9: {  	s3 =	sand.u32 $0x4000, s31;
	s1 =	sadd.s32 s1, s30  }
0xba: {  	s0 =	sor.u32 s3, s0;
	s1 =	sshll.u32 s1, $0x11  }
0xbb: {  	s0 =	sor.u32 s1, s0  }
0xbc: {  	s0 =	sadd.s32 $0x8F2B, s0  }
0xbd: {  	[sflag:s0] =	ssyncadd.remote.s32 $0x1  }
0xbe: {  	_ =	sfence.sel $0xFFFF  }
0xbf: {  	[dreg:$0x0] =	wrdreg $0xFFFFFFFF;
	(pc) =	sbr.abs _section_cstart, $3  }
0xc0: {  	[dreg:$0x1] =	wrdreg $0xFFFFFFFF  }
0xc1: {  	_ =	task.clear_ibuf [dreg:s7], $0x2FFFF;
	_ =	strace $0x9FFFFFFF  }
0xc2: {  	(tm) =	ssettm $0x7FFFFFFF  }
0xc3: {  	_ =	shalt  }
tec
execute0_lowered:
.L_overlay_start_1:
0x0: {  	(tag) =	ssettag $0x1  }
0x1: {  	s1 =	srdreg.scid  }
0x2: {  	s0 =	stileid.u32;
	s15 =	sand.u32 $0x1, s1  }
0x3: {  	s16 =	rddreg [dreg:$0x0];
	s29 =	sshll.u32 s0, $0x9;
	s3 =	sshll.u32 s15, $0x8  }
0x4: {  	s2 =	rddreg [dreg:$0x1];
	s17 =	sor.u32 s3, s29  }
0x5: {  	s1 =	rddreg [dreg:$0x2];
	s3 =	simm.s32 $0x0;
	s4 =	sshrl.u32 s17, $0x3  }
0x6: {  	[smem:$0x7FF] =	sst s3;
	s4 =	sadd.s32 s4, s16  }
0x7: {  	_ =	strace $0x8000004A;
	s5 =	sadd.s32 $0x5600, s4;
	s4 =	simm.s32 $0x4  }
0x8: {  	[tilespmem:s3], [sflag:$0x4] =	stream.linear.gather [hbm4b:s5+s3], $0x100, $0x38;
	[tilespmem:$0xA100] =	vst v63  }
0x9: {  	_ =	swait.ge [sflag:s4], $0x100  }
0xa: {  	[sflag:s4] =	ssyncset.done $0x0  }
0xb: {  	s7 =	simm.s32 $0x100;
	s6 =	sadd.s32 $0x1BC800, s16;
	[sflag:s4] =	ssyncadd.s32 $0xFFFFFF00  }
0xc: {  	[tilespmem:s7], [sflag:$0x1] =	stream.indirect.gather [hbm4b:s6+s7], $0x10, s3, s7, $0xb8;
	[tilespmem:$0xA100] =	vst v63  }
0xd: {  	s9 =	simm.s32 $0x1100;
	s8 =	sadd.s32 $0x18BA00, s16  }
0xe: {  	[tilespmem:s9], [sflag:$0x2] =	stream.indirect.gather [hbm4b:s8+s7], $0x10, s3, s7, $0xb8;
	[tilespmem:$0xA100] =	vst v63  }
0xf: {  	s10 =	simm.s32 $0x2100;
	s11 =	simm.s32 $0x1  }
0x10: {  	[tilespmem:s10], [sflag:$0x3] =	stream.indirect.gather [hbm4b:s2+s7], $0x80, s3, s7, $0xb8;
	[tilespmem:$0xA100] =	vst v63  }
0x11: {  	_ =	swait.ge [sflag:s11], $0x1000  }
0x12: {  	[sflag:s11] =	ssyncset.done $0x0  }
0x13: {  	s12 =	simm.s32 $0x2;
	[sflag:s11] =	ssyncadd.s32 $0xFFFFF000  }
0x14: {  	_ =	swait.ge [sflag:s12], $0x1000  }
0x15: {  	[sflag:s12] =	ssyncset.done $0x0  }
0x16: {  	s13 =	simm.s32 $0x3;
	[sflag:s12] =	ssyncadd.s32 $0xFFFFF000  }
0x17: {  	s14 =	sshll.u32 s17, $0x1;
	_ =	swait.ge [sflag:s13], $0x8000  }
0x18: {  	s18 =	sadd.s32 s14, s16;
	[sflag:s13] =	ssyncset.done $0x0  }
0x19: {  	s19 =	ssub.s32 $0x2, s15;
	s14 =	sadd.s32 $0x2BA00, s18;
	[sflag:s13] =	ssyncadd.s32 $0xFFFF8000  }
0x1a: {  	[hbm4b:s14+s3] =	stream.linear.scatter [tilespmem:s7], [sflag:$0x4], $0x1000, $0x38;
	[tilespmem:$0xA100] =	vst v63  }
0x1b: {  	s30 =	sshrl.u32 s19, $0x1;
	s17 =	sshll.u32 s17, $0x4;
	_ =	swait.ge [sflag:s4], $0x1000  }
0x1c: {  	s31 =	ssub.s32 s19, s30;
	s16 =	sadd.s32 s17, s16;
	[sflag:s4] =	ssyncset.done $0x0  }
0x1d: {  	s17 =	smax.u32 s31, $0x1;
	s15 =	sadd.s32 $0x7A00, s18;
	[sflag:s4] =	ssyncadd.s32 $0xFFFFF000  }
0x1e: {  	[hbm4b:s15+s3] =	stream.linear.scatter [tilespmem:s9], [sflag:$0x4], $0x1000, $0x38;
	[tilespmem:$0xA100] =	vst v63  }
0x1f: {  	p0 =	sne.s32 s17, $0x1;
	_ =	swait.ge [sflag:s4], $0x1000  }
.Ltmp0:
0x20: {  	[sflag:s4] =	ssyncset.done $0x0;
	(pc) =	sbr.rel @!p0 .LBB2_2-.Ltmp0, $4  }
0x21: {  	s16 =	sadd.s32 $0xBA00, s16;
	[sflag:s4] =	ssyncadd.s32 $0xFFFFF000  }
0x22: {  	[hbm4b:s16+s3] =	stream.linear.scatter [tilespmem:s10], [sflag:$0x4], $0x8000, $0x38;
	[tilespmem:$0xA100] =	vst v63  }
0x23: {  	_ =	swait.ge [sflag:s4], $0x8000  }
0x24: {  	s17 =	sadd.s32 $0xFFFFFFFF, s17;
	[sflag:s4] =	ssyncset.done $0x0  }
.LBB2_1:
0x25: {  	p0 =	sne.s32 s17, $0x1;
	s17 =	sadd.s32 $0xFFFFFFFF, s17;
	[sflag:s4] =	ssyncadd.s32 $0xFFFF8000  }
0x26: {  	[tilespmem:s3], [sflag:$0x4] =	stream.linear.gather [hbm4b:s5+s3], $0x100, $0x38;
	[tilespmem:$0xA100] =	vst v63  }
0x27: {  	_ =	swait.ge [sflag:s4], $0x100  }
0x28: {  	[sflag:s4] =	ssyncset.done $0x0  }
0x29: {  	[sflag:s4] =	ssyncadd.s32 $0xFFFFFF00  }
0x2a: {  	[tilespmem:s7], [sflag:$0x1] =	stream.indirect.gather [hbm4b:s6+s7], $0x10, s3, s7, $0xb8;
	[tilespmem:$0xA100] =	vst v63  }
0x2b: {  	_ = 	snop  }
0x2c: {  	[tilespmem:s9], [sflag:$0x2] =	stream.indirect.gather [hbm4b:s8+s7], $0x10, s3, s7, $0xb8;
	[tilespmem:$0xA100] =	vst v63  }
0x2d: {  	_ = 	snop  }
0x2e: {  	[tilespmem:s10], [sflag:$0x3] =	stream.indirect.gather [hbm4b:s2+s7], $0x80, s3, s7, $0xb8;
	[tilespmem:$0xA100] =	vst v63  }
0x2f: {  	_ =	swait.ge [sflag:s11], $0x1000  }
0x30: {  	[sflag:s11] =	ssyncset.done $0x0  }
0x31: {  	[sflag:s11] =	ssyncadd.s32 $0xFFFFF000  }
0x32: {  	_ =	swait.ge [sflag:s12], $0x1000  }
0x33: {  	[sflag:s12] =	ssyncset.done $0x0  }
0x34: {  	[sflag:s12] =	ssyncadd.s32 $0xFFFFF000  }
0x35: {  	_ =	swait.ge [sflag:s13], $0x8000  }
0x36: {  	[sflag:s13] =	ssyncset.done $0x0  }
0x37: {  	[sflag:s13] =	ssyncadd.s32 $0xFFFF8000  }
0x38: {  	[hbm4b:s14+s3] =	stream.linear.scatter [tilespmem:s7], [sflag:$0x4], $0x1000, $0x38;
	[tilespmem:$0xA100] =	vst v63  }
0x39: {  	_ =	swait.ge [sflag:s4], $0x1000  }
0x3a: {  	[sflag:s4] =	ssyncset.done $0x0  }
0x3b: {  	[sflag:s4] =	ssyncadd.s32 $0xFFFFF000  }
0x3c: {  	[hbm4b:s15+s3] =	stream.linear.scatter [tilespmem:s9], [sflag:$0x4], $0x1000, $0x38;
	[tilespmem:$0xA100] =	vst v63  }
0x3d: {  	_ =	swait.ge [sflag:s4], $0x1000  }
.Ltmp1:
0x3e: {  	[sflag:s4] =	ssyncset.done $0x0;
	(pc) =	sbr.rel @p0 .LBB2_1-.Ltmp1, $4  }
0x3f: {  	[sflag:s4] =	ssyncadd.s32 $0xFFFFF000  }
0x40: {  	[hbm4b:s16+s3] =	stream.linear.scatter [tilespmem:s10], [sflag:$0x4], $0x8000, $0x38;
	[tilespmem:$0xA100] =	vst v63  }
0x41: {  	_ =	swait.ge [sflag:s4], $0x8000  }
0x42: {  	[sflag:s4] =	ssyncset.done $0x0  }
.LBB2_2:
0x43: {  	[sflag:s4] =	ssyncadd.s32 $0xFFFF8000  }
0x44: {  	_ =	sfence.sel $0x180000  }
0x45: {  	[bflag:$0x0] =	sbarrier.arrive $0xFFFF  }
0x46: {  	p0 =	sne.s32 s0, $0x0;
	_ =	strace $0x9000004A  }
0x47: {  	s0 =	sadd.s32 @!p0 $0x100000, s1;
	[bflag:$0x2] =	sbarrier.arrive $0xFFFF  }
0x48: {  	[sflag:s0] =	ssyncadd.tile.s32 @!p0 $0x1;
	_ =	shalt  }
.Lfunc_end2:
_tile_overlayer_lowered:
.L_overlay_start_2:
0x49: {  	(tag) =	ssettag $0x2  }
0x4a: {  	s0 =	rddreg [dreg:$0x0];
	s2 =	stileid.u32  }
0x4b: {  	s1 =	rddreg [dreg:$0x1];
	p0 =	sne.s32 s2, $0x0  }
0x4c: {  	s3 =	rddreg [dreg:$0x2];
	[bflag:$0x3] =	sbarrier.arrive $0xFFFF;
	s2 =	simm.s32 @!p0 $0x1C04  }
0x4d: {  	[timem:s3], [sflag:s2] =	dma.local @!p0 [hbm:s0], s1  }
0x4e: {  	s0 =	simm.s32 @!p0 $0x4  }
0x4f: {  	_ =	swait.ge @!p0 [sflag:s0], s1  }
0x50: {  	s1 =	ssub.s32 @!p0 $0x0, s1;
	[sflag:s0] =	ssyncset.done @!p0 $0x0  }
0x51: {  	[sflag:s0] =	ssyncadd.s32 @!p0 s1  }
0x52: {  	[bflag:$0x3] =	sbarrier.arrive $0xFFFF  }
0x53: {  	_ =	shalt  }

// kernel: kernel.15.cloned.1.call-start
scs
__scs_entry_jumppad:
0x0: {  	(pc) =	sbr.rel $0x88, $3  }
0x1: {  	(tag) =	ssettag $0x0;
	lr =	simm.s32 $0x1  }
0x2: {  	[smem:$0x3F84] =	sst lr;
	_ =	strace $0xD0000000  }
0x3: {  	_ = 	snop  }
0x4: {  	_ = 	snop  }
0x5: {  	_ = 	snop  }
0x6: {  	_ = 	snop  }
0x7: {  	_ = 	snop  }
__scs_overlays_trampoline_lowered:
0x8: {  	[smem:$0x3F93] =	sst s0  }
0x9: {  	[smem:$0x3F94] =	sst s1  }
0xa: {  	[smem:$0x3F95] =	sst s2  }
0xb: {  	[smem:$0x3F96] =	sst s3  }
0xc: {  	[smem:$0x3F97] =	sst s4  }
0xd: {  	[smem:$0x3F98] =	sst s5  }
0xe: {  	[smem:$0x3F99] =	sst s6  }
0xf: {  	[smem:$0x3F9A] =	sst s7  }
0x10: {  	[smem:$0x3F9B] =	sst s8  }
0x11: {  	[smem:$0x3F9C] =	sst s9;
	s0 =	simm.s32 @!p0 $0x0  }
0x12: {  	s1 =	sld [smem:$0x3F82];
	s0 =	simm.s32 @p0 $0x1  }
0x13: {  	[smem:$0x3F9D] =	sst s0;
	s0 =	simm.s32 @!p1 $0x0  }
0x14: {  	s2 =	sld [smem:$0x3F81];
	s0 =	simm.s32 @p1 $0x1  }
0x15: {  	[smem:$0x3F9E] =	sst s0;
	s0 =	simm.s32 @!p2 $0x0  }
0x16: {  	s3 =	sld [smem:$0x3FDB];
	s0 =	simm.s32 @p2 $0x1  }
0x17: {  	s4 =	simm.s32 $0x1BF5;
	[smem:$0x3FA0] =	sst s0  }
0x18: {  	s0 =	sld [smem:$0x3F83];
	_ =	swait.ge [sflag:s4], $0x0  }
0x19: {  	s7 =	sld [smem:$0x3F84]  }
0x1a: {  	s8 =	sadd.s32 $0xFFFFE003, lr  }
0x1b: {  	s9 =	sadd.s32 $0xFFFFFEF7, lr;
	s5 =	simm.s32 $0xFFFFFFFF;
	p2 =	slt.u32 s8, $0xFFFFF086  }
0x1c: {  	p1 =	slt.u32 s9, $0xF7A;
	s5 =	simm.s32 @!p2 $0x0  }
0x1d: {  	s5 =	simm.s32 @p1 $0x1;
	p0 =	seq.s32 s7, s2  }
0x1e: {  	s7 =	smul.u32 @!p0 $0xF7A, s2;
	p2 =	seq.s32 @!p0 s5, $0x0  }
0x1f: {  	s9 =	smul.u32 $0xF7A, s1;
	s8 =	simm.s32 @!p0 $0x1BF5;
	p2 =	por !p2, p0  }
0x20: {  	[sflag:s8] =	ssyncset.s32 @!p0 $0xFFFFF086;
	s6 =	sadd.s32 @!p0 s3, s7;
	s7 =	simm.s32 @!p0 $0x108  }
0x21: {  	s3 =	sadd.s32 s3, s9;
	s6 =	sadd.s32 @!p0 $0x88, s6;
	s7 =	simm.s32 @p2 $0x1082  }
0x22: {  	[simem:s7], [sflag:s8] =	dma.local @!p0 [hbm:s6], $0xF7A  }
0x23: {  	s9 =	sor.u32 $0xD0000000, s2;
	s6 =	simm.s32 $0x108;
	_ =	swait.ge @!p0 [sflag:s8], $0x0  }
0x24: {  	s3 =	sadd.s32 $0x88, s3;
	s6 =	simm.s32 @!p1 $0x1082;
	[sflag:s4] =	ssyncset.s32 $0xFFFFF086  }
0x25: {  	[simem:s6], [sflag:s4] =	dma.local [hbm:s3], $0xF7A  }
0x26: {  	[smem:$0x3F84] =	sst s1;
	(tag) =	ssettag s2;
	_ =	strace s9  }
0x27: {  	s1 =	sld [smem:$0x3F94]  }
0x28: {  	s2 =	sld [smem:$0x3F95]  }
0x29: {  	s4 =	sld [smem:$0x3F97]  }
0x2a: {  	p0 =	seq.s32 s5, $0x0;
	s5 =	sld [smem:$0x3F98]  }
0x2b: {  	s6 =	sld [smem:$0x3F99]  }
0x2c: {  	s7 =	sld [smem:$0x3F9A]  }
0x2d: {  	s3 =	simm.s32 $0x108;
	s8 =	sld [smem:$0x3F9B]  }
0x2e: {  	s3 =	simm.s32 @!p0 $0x1082;
	s9 =	sld [smem:$0x3F9C]  }
0x2f: {  	lr =	sadd.s32 s0, s3;
	s0 =	sld [smem:$0x3F93]  }
0x30: {  	s3 =	sld [smem:$0x3F96]  }
0x31: {  	[smem:$0x3F9F] =	sst s10  }
0x32: {  	s10 =	sld [smem:$0x3F9D];
	_ =	sdelay $0x3  }
0x33: {  	p0 =	seq.s32 s10, $0x1;
	s10 =	sld [smem:$0x3F9F];
	_ =	sdelay $0x3  }
0x34: {  	[smem:$0x3F9F] =	sst s10  }
0x35: {  	s10 =	sld [smem:$0x3F9E];
	_ =	sdelay $0x3  }
0x36: {  	p1 =	seq.s32 s10, $0x1;
	s10 =	sld [smem:$0x3F9F];
	_ =	sdelay $0x3  }
0x37: {  	[smem:$0x3F9F] =	sst s10  }
0x38: {  	s10 =	sld [smem:$0x3FA0]  }
0x39: {  	_ = 	snop;
	(pc) =	sbr.ind lr, $3  }
0x3a: {  	_ = 	snop  }
0x3b: {  	_ = 	snop  }
0x3c: {  	p2 =	seq.s32 s10, $0x1;
	s10 =	sld [smem:$0x3F9F]  }
0x3d: {  	_ =	shalt  }
0x3e: {  	_ =	shalt  }
0x3f: {  	_ =	shalt  }
0x40: {  	_ =	shalt  }
0x41: {  	_ =	shalt  }
0x42: {  	_ =	shalt  }
0x43: {  	_ =	shalt  }
0x44: {  	_ =	shalt  }
0x45: {  	_ =	shalt  }
0x46: {  	_ =	shalt  }
0x47: {  	_ =	shalt  }
0x48: {  	_ =	shalt  }
0x49: {  	_ =	shalt  }
0x4a: {  	_ =	shalt  }
0x4b: {  	_ =	shalt  }
0x4c: {  	_ =	shalt  }
0x4d: {  	_ =	shalt  }
0x4e: {  	_ =	shalt  }
0x4f: {  	_ =	shalt  }
0x50: {  	_ =	shalt  }
0x51: {  	_ =	shalt  }
0x52: {  	_ =	shalt  }
0x53: {  	_ =	shalt  }
0x54: {  	_ =	shalt  }
0x55: {  	_ =	shalt  }
0x56: {  	_ =	shalt  }
0x57: {  	_ =	shalt  }
0x58: {  	_ =	shalt  }
0x59: {  	_ =	shalt  }
0x5a: {  	_ =	shalt  }
0x5b: {  	_ =	shalt  }
0x5c: {  	_ =	shalt  }
0x5d: {  	_ =	shalt  }
0x5e: {  	_ =	shalt  }
0x5f: {  	_ =	shalt  }
0x60: {  	_ =	shalt  }
0x61: {  	_ =	shalt  }
0x62: {  	_ =	shalt  }
0x63: {  	_ =	shalt  }
0x64: {  	_ =	shalt  }
0x65: {  	_ =	shalt  }
0x66: {  	_ =	shalt  }
0x67: {  	_ =	shalt  }
0x68: {  	_ =	shalt  }
0x69: {  	_ =	shalt  }
0x6a: {  	_ =	shalt  }
0x6b: {  	_ =	shalt  }
0x6c: {  	_ =	shalt  }
0x6d: {  	_ =	shalt  }
0x6e: {  	_ =	shalt  }
0x6f: {  	_ =	shalt  }
0x70: {  	_ =	shalt  }
0x71: {  	_ =	shalt  }
0x72: {  	_ =	shalt  }
0x73: {  	_ =	shalt  }
0x74: {  	_ =	shalt  }
0x75: {  	_ =	shalt  }
0x76: {  	_ =	shalt  }
0x77: {  	_ =	shalt  }
0x78: {  	_ =	shalt  }
0x79: {  	_ =	shalt  }
0x7a: {  	_ =	shalt  }
0x7b: {  	_ =	shalt  }
0x7c: {  	_ =	shalt  }
0x7d: {  	_ =	shalt  }
0x7e: {  	_ =	shalt  }
0x7f: {  	_ =	shalt  }
0x80: {  	_ =	shalt  }
0x81: {  	_ =	shalt  }
0x82: {  	_ =	shalt  }
0x83: {  	_ =	shalt  }
0x84: {  	_ =	shalt  }
0x85: {  	_ =	shalt  }
0x86: {  	_ =	shalt  }
0x87: {  	_ =	shalt  }
.Lfunc_end0:
.L_simem_size_0:
called_computation.2_lowered:
.L_overlay_start_0:
0x88: {  	s2 =	sld [smem:$0x3FD9]  }
0x89: {  	s3 =	sld [smem:$0x3FFE];
	_ =	sdelay $0x1  }
0x8a: {  	s1 =	srdreg.scid  }
0x8b: {  	s0 =	sand.u32 $0x1, s1  }
0x8c: {  	s17 =	sshll.u32 s0, $0xA;
	s2 =	sadd.s32 s3, s2  }
0x8d: {  	s2 =	sadd.s32 s2, s17  }
0x8e: {  	[smem:$0x3FAB] =	sst s2  }
0x8f: {  	_ = 	snop  }
0x90: {  	s2 =	sld [smem:$0x3FC5];
	(tm) =	ssettm $0x1  }
0x91: {  	s18 =	sld [smem:$0x3FFB];
	_ =	sdelay $0x3  }
0x92: {  	_ =	strace s18  }
0x93: {  	s3 =	sld [smem:$0x3FFC];
	_ =	sdelay $0x3  }
0x94: {  	_ =	strace s3  }
0x95: {  	s3 =	sld [smem:$0x3FFD];
	_ =	sdelay $0x3  }
0x96: {  	_ =	strace s3  }
0x97: {  	_ =	strace $0x8FFFFFFF  }
0x98: {  	s19 =	sld [smem:$0x3FDB];
	_ =	sdelay $0x1  }
0x99: {  	s4 =	simm.s32 $_scs_section_size  }
0x9a: {  	s5 =	simm.s32 $_size__tile_overlayer_lowered;
	s6 =	simm.s32 $_tile_overlayer_lowered  }
0x9b: {  	s22 =	simm.s32 $0x1BFF;
	s21 =	sshll.u32 s6, $0x1;
	s3 =	sadd.s32 s4, s19  }
0x9c: {  	s7 =	simm.s32 $0x0;
	s20 =	sshll.u32 s5, $0x1;
	s5 =	sadd.s32 s21, s3  }
0x9d: {  	[timem:s7], [sflag:s22] =	dma.local [hbm:s5], s20  }
0x9e: {  	_ =	swait.ge [sflag:s22], s20  }
0x9f: {  	s4 =	ssub.s32 $0x0, s20;
	[sflag:s22] =	ssyncset.done $0x0  }
0xa0: {  	[sflag:s22] =	ssyncadd.s32 s4;
	_ =	sdelay $0x1  }
0xa1: {  	s23 =	simm.s32 $0x1B8B  }
0xa2: {  	_ =	swait.ge [sflag:s23], $0x1  }
0xa3: {  	[sflag:s23] =	ssyncset.done $0x0  }
0xa4: {  	s25 =	simm.s32 $0x1B8E;
	s24 =	sld [smem:$0x3FFE];
	[sflag:s23] =	ssyncadd.s32 $0xFFFFFFFF  }
0xa5: {  	s26 =	simm.s32 $execute0_lowered;
	[smem:$0x3FD2] =	sst s25  }
0xa6: {  	s5 =	sshll.u32 s26, $0x1;
	_ =	strace $0x8000004C;
	[dreg:$0x1] =	wrdreg $0xFFFFFFFF  }
0xa7: {  	s28 =	simm.s32 $_size_execute0_lowered;
	s3 =	sadd.s32 s3, s5;
	[dreg:$0x0] =	wrdreg $0x0  }
0xa8: {  	s5 =	sshll.u32 s28, $0x1;
	[dreg:$0x2] =	wrdreg s3  }
0xa9: {  	[dreg:$0x3] =	wrdreg s5  }
0xaa: {  	[dreg:$0x4] =	wrdreg $0xC0  }
0xab: {  	_ =	task [dreg:s7], $0x5FFFF  }
0xac: {  	[dreg:$0x1] =	wrdreg $0xFFFFFFFF  }
0xad: {  	[dreg:$0x0] =	wrdreg $0x60  }
0xae: {  	[dreg:$0x2] =	wrdreg s2  }
0xaf: {  	[dreg:$0x3] =	wrdreg s24  }
0xb0: {  	[dreg:$0x4] =	wrdreg $0x9  }
0xb1: {  	_ =	task.clear_ibuf [dreg:s7], $0x5FFFF;
	_ =	strace $0x9000004C  }
0xb2: {  	s29 =	simm.s32 $0x9;
	_ =	strace $0x8000004E  }
0xb3: {  	_ =	swait.ge [sflag:s29], $0x1  }
0xb4: {  	[sflag:s29] =	ssyncadd.s32 $0xFFFFFFFF  }
0xb5: {  	_ =	strace $0x9000004E  }
0xb6: {  	_ =	sfence  }
0xb7: {  	s30 =	sld [smem:$0x0];
	_ =	sdelay $0x2  }
0xb8: {  	s31 =	sshll.u32 s1, $0xD;
	s1 =	sshrl.u32 s1, $0x2  }
0xb9: {  	s3 =	sand.u32 $0x4000, s31;
	s1 =	sadd.s32 s1, s30  }
0xba: {  	s0 =	sor.u32 s3, s0;
	s1 =	sshll.u32 s1, $0x11  }
0xbb: {  	s0 =	sor.u32 s1, s0  }
0xbc: {  	s0 =	sadd.s32 $0x8F2B, s0  }
0xbd: {  	[sflag:s0] =	ssyncadd.remote.s32 $0x1  }
0xbe: {  	_ =	sfence.sel $0xFFFF  }
0xbf: {  	[dreg:$0x0] =	wrdreg $0xFFFFFFFF;
	(pc) =	sbr.abs _section_cstart, $3  }
0xc0: {  	[dreg:$0x1] =	wrdreg $0xFFFFFFFF  }
0xc1: {  	_ =	task.clear_ibuf [dreg:s7], $0x2FFFF;
	_ =	strace $0x9FFFFFFF  }
0xc2: {  	(tm) =	ssettm $0x7FFFFFFF  }
0xc3: {  	_ =	shalt  }
tec
execute0_lowered:
.L_overlay_start_1:
0x0: {  	(tag) =	ssettag $0x1  }
0x1: {  	s1 =	srdreg.scid  }
0x2: {  	s2 =	rddreg [dreg:$0x0];
	s0 =	stileid.u32;
	s22 =	sand.u32 $0x1, s1  }
0x3: {  	s8 =	rddreg [dreg:$0x1];
	s4 =	sshll.u32 s0, $0xD;
	s5 =	sshll.u32 s22, $0xC  }
0x4: {  	s3 =	simm.s32 $0x0;
	s1 =	rddreg [dreg:$0x2];
	s24 =	sor.u32 s5, s4  }
0x5: {  	[smem:$0x7FF] =	sst s3;
	s21 =	sadd.s32 $0x2BA00, s8;
	s4 =	sshrl.u32 s24, $0x3  }
0x6: {  	_ =	strace $0x8000004D;
	s5 =	sadd.s32 s21, s4;
	s4 =	simm.s32 $0x2  }
0x7: {  	[tilespmem:s3], [sflag:$0x2] =	stream.linear.gather [hbm4b:s5+s3], $0x200, $0x38;
	[tilespmem:$0x10200] =	vst v63  }
0x8: {  	_ =	swait.ge [sflag:s4], $0x200  }
0x9: {  	[sflag:s4] =	ssyncset.done $0x0  }
0xa: {  	s6 =	simm.s32 $0x200;
	s7 =	simm.s32 $0x1;
	[sflag:s4] =	ssyncadd.s32 $0xFFFFFE00  }
0xb: {  	[tilespmem:s6], [sflag:$0x1] =	stream.indirect.gather [hbm4b:s2+s6], $0x80, s3, s6, $0xb8;
	[tilespmem:$0x10200] =	vst v63  }
0xc: {  	_ =	swait.ge [sflag:s7], $0x10000  }
0xd: {  	s23 =	sadd.s32 $0x2FA00, s8;
	s28 =	sshll.u32 s24, $0x4;
	[sflag:s7] =	ssyncset.done $0x0  }
0xe: {  	s8 =	sadd.s32 s23, s28;
	[sflag:s7] =	ssyncadd.s32 $0xFFFF0000  }
0xf: {  	[hbm4b:s8+s3] =	stream.linear.scatter [tilespmem:s6], [sflag:$0x2], $0x10000, $0x38;
	[tilespmem:$0x10200] =	vst v63  }
0x10: {  	s10 =	sor.u32 $0x200, s24;
	_ =	swait.ge [sflag:s4], $0x10000  }
0x11: {  	s9 =	sshrl.u32 s10, $0x3;
	[sflag:s4] =	ssyncset.done $0x0  }
0x12: {  	s9 =	sadd.s32 s21, s9;
	[sflag:s4] =	ssyncadd.s32 $0xFFFF0000  }
0x13: {  	[tilespmem:s3], [sflag:$0x2] =	stream.linear.gather [hbm4b:s9+s3], $0x200, $0x38;
	[tilespmem:$0x10200] =	vst v63  }
0x14: {  	_ =	swait.ge [sflag:s4], $0x200  }
0x15: {  	[sflag:s4] =	ssyncset.done $0x0  }
0x16: {  	[sflag:s4] =	ssyncadd.s32 $0xFFFFFE00  }
0x17: {  	[tilespmem:s6], [sflag:$0x1] =	stream.indirect.gather [hbm4b:s2+s6], $0x80, s3, s6, $0xb8;
	[tilespmem:$0x10200] =	vst v63  }
0x18: {  	_ =	swait.ge [sflag:s7], $0x10000  }
0x19: {  	s10 =	sshll.u32 s10, $0x4;
	[sflag:s7] =	ssyncset.done $0x0  }
0x1a: {  	s10 =	sadd.s32 s23, s10;
	[sflag:s7] =	ssyncadd.s32 $0xFFFF0000  }
0x1b: {  	[hbm4b:s10+s3] =	stream.linear.scatter [tilespmem:s6], [sflag:$0x2], $0x10000, $0x38;
	[tilespmem:$0x10200] =	vst v63  }
0x1c: {  	s12 =	sor.u32 $0x400, s24;
	_ =	swait.ge [sflag:s4], $0x10000  }
0x1d: {  	s11 =	sshrl.u32 s12, $0x3;
	[sflag:s4] =	ssyncset.done $0x0  }
0x1e: {  	s11 =	sadd.s32 s21, s11;
	[sflag:s4] =	ssyncadd.s32 $0xFFFF0000  }
0x1f: {  	[tilespmem:s3], [sflag:$0x2] =	stream.linear.gather [hbm4b:s11+s3], $0x200, $0x38;
	[tilespmem:$0x10200] =	vst v63  }
0x20: {  	_ =	swait.ge [sflag:s4], $0x200  }
0x21: {  	[sflag:s4] =	ssyncset.done $0x0  }
0x22: {  	[sflag:s4] =	ssyncadd.s32 $0xFFFFFE00  }
0x23: {  	[tilespmem:s6], [sflag:$0x1] =	stream.indirect.gather [hbm4b:s2+s6], $0x80, s3, s6, $0xb8;
	[tilespmem:$0x10200] =	vst v63  }
0x24: {  	_ =	swait.ge [sflag:s7], $0x10000  }
0x25: {  	s12 =	sshll.u32 s12, $0x4;
	[sflag:s7] =	ssyncset.done $0x0  }
0x26: {  	s12 =	sadd.s32 s23, s12;
	[sflag:s7] =	ssyncadd.s32 $0xFFFF0000  }
0x27: {  	[hbm4b:s12+s3] =	stream.linear.scatter [tilespmem:s6], [sflag:$0x2], $0x10000, $0x38;
	[tilespmem:$0x10200] =	vst v63  }
0x28: {  	s14 =	sor.u32 $0x600, s24;
	_ =	swait.ge [sflag:s4], $0x10000  }
0x29: {  	s13 =	sshrl.u32 s14, $0x3;
	[sflag:s4] =	ssyncset.done $0x0  }
0x2a: {  	s13 =	sadd.s32 s21, s13;
	[sflag:s4] =	ssyncadd.s32 $0xFFFF0000  }
0x2b: {  	[tilespmem:s3], [sflag:$0x2] =	stream.linear.gather [hbm4b:s13+s3], $0x200, $0x38;
	[tilespmem:$0x10200] =	vst v63  }
0x2c: {  	_ =	swait.ge [sflag:s4], $0x200  }
0x2d: {  	[sflag:s4] =	ssyncset.done $0x0  }
0x2e: {  	[sflag:s4] =	ssyncadd.s32 $0xFFFFFE00  }
0x2f: {  	[tilespmem:s6], [sflag:$0x1] =	stream.indirect.gather [hbm4b:s2+s6], $0x80, s3, s6, $0xb8;
	[tilespmem:$0x10200] =	vst v63  }
0x30: {  	_ =	swait.ge [sflag:s7], $0x10000  }
0x31: {  	s14 =	sshll.u32 s14, $0x4;
	[sflag:s7] =	ssyncset.done $0x0  }
0x32: {  	s14 =	sadd.s32 s23, s14;
	[sflag:s7] =	ssyncadd.s32 $0xFFFF0000  }
0x33: {  	[hbm4b:s14+s3] =	stream.linear.scatter [tilespmem:s6], [sflag:$0x2], $0x10000, $0x38;
	[tilespmem:$0x10200] =	vst v63  }
0x34: {  	s16 =	sor.u32 $0x800, s24;
	_ =	swait.ge [sflag:s4], $0x10000  }
0x35: {  	s15 =	sshrl.u32 s16, $0x3;
	[sflag:s4] =	ssyncset.done $0x0  }
0x36: {  	s15 =	sadd.s32 s21, s15;
	[sflag:s4] =	ssyncadd.s32 $0xFFFF0000  }
0x37: {  	[tilespmem:s3], [sflag:$0x2] =	stream.linear.gather [hbm4b:s15+s3], $0x200, $0x38;
	[tilespmem:$0x10200] =	vst v63  }
0x38: {  	_ =	swait.ge [sflag:s4], $0x200  }
0x39: {  	[sflag:s4] =	ssyncset.done $0x0  }
0x3a: {  	[sflag:s4] =	ssyncadd.s32 $0xFFFFFE00  }
0x3b: {  	[tilespmem:s6], [sflag:$0x1] =	stream.indirect.gather [hbm4b:s2+s6], $0x80, s3, s6, $0xb8;
	[tilespmem:$0x10200] =	vst v63  }
0x3c: {  	_ =	swait.ge [sflag:s7], $0x10000  }
0x3d: {  	s16 =	sshll.u32 s16, $0x4;
	[sflag:s7] =	ssyncset.done $0x0  }
0x3e: {  	s16 =	sadd.s32 s23, s16;
	[sflag:s7] =	ssyncadd.s32 $0xFFFF0000  }
0x3f: {  	[hbm4b:s16+s3] =	stream.linear.scatter [tilespmem:s6], [sflag:$0x2], $0x10000, $0x38;
	[tilespmem:$0x10200] =	vst v63  }
0x40: {  	s18 =	sor.u32 $0xA00, s24;
	_ =	swait.ge [sflag:s4], $0x10000  }
0x41: {  	s17 =	sshrl.u32 s18, $0x3;
	[sflag:s4] =	ssyncset.done $0x0  }
0x42: {  	s17 =	sadd.s32 s21, s17;
	[sflag:s4] =	ssyncadd.s32 $0xFFFF0000  }
0x43: {  	[tilespmem:s3], [sflag:$0x2] =	stream.linear.gather [hbm4b:s17+s3], $0x200, $0x38;
	[tilespmem:$0x10200] =	vst v63  }
0x44: {  	_ =	swait.ge [sflag:s4], $0x200  }
0x45: {  	[sflag:s4] =	ssyncset.done $0x0  }
0x46: {  	[sflag:s4] =	ssyncadd.s32 $0xFFFFFE00  }
0x47: {  	[tilespmem:s6], [sflag:$0x1] =	stream.indirect.gather [hbm4b:s2+s6], $0x80, s3, s6, $0xb8;
	[tilespmem:$0x10200] =	vst v63  }
0x48: {  	_ =	swait.ge [sflag:s7], $0x10000  }
0x49: {  	s18 =	sshll.u32 s18, $0x4;
	[sflag:s7] =	ssyncset.done $0x0  }
0x4a: {  	s18 =	sadd.s32 s23, s18;
	[sflag:s7] =	ssyncadd.s32 $0xFFFF0000  }
0x4b: {  	[hbm4b:s18+s3] =	stream.linear.scatter [tilespmem:s6], [sflag:$0x2], $0x10000, $0x38;
	[tilespmem:$0x10200] =	vst v63  }
0x4c: {  	s20 =	sor.u32 $0xC00, s24;
	_ =	swait.ge [sflag:s4], $0x10000  }
0x4d: {  	s19 =	sshrl.u32 s20, $0x3;
	[sflag:s4] =	ssyncset.done $0x0  }
0x4e: {  	s19 =	sadd.s32 s21, s19;
	[sflag:s4] =	ssyncadd.s32 $0xFFFF0000  }
0x4f: {  	[tilespmem:s3], [sflag:$0x2] =	stream.linear.gather [hbm4b:s19+s3], $0x200, $0x38;
	[tilespmem:$0x10200] =	vst v63  }
0x50: {  	_ =	swait.ge [sflag:s4], $0x200  }
0x51: {  	[sflag:s4] =	ssyncset.done $0x0  }
0x52: {  	[sflag:s4] =	ssyncadd.s32 $0xFFFFFE00  }
0x53: {  	[tilespmem:s6], [sflag:$0x1] =	stream.indirect.gather [hbm4b:s2+s6], $0x80, s3, s6, $0xb8;
	[tilespmem:$0x10200] =	vst v63  }
0x54: {  	_ =	swait.ge [sflag:s7], $0x10000  }
0x55: {  	s20 =	sshll.u32 s20, $0x4;
	[sflag:s7] =	ssyncset.done $0x0  }
0x56: {  	s20 =	sadd.s32 s23, s20;
	[sflag:s7] =	ssyncadd.s32 $0xFFFF0000  }
0x57: {  	[hbm4b:s20+s3] =	stream.linear.scatter [tilespmem:s6], [sflag:$0x2], $0x10000, $0x38;
	[tilespmem:$0x10200] =	vst v63  }
0x58: {  	s24 =	sor.u32 $0xE00, s24;
	_ =	swait.ge [sflag:s4], $0x10000  }
0x59: {  	s25 =	sshrl.u32 s24, $0x3;
	[sflag:s4] =	ssyncset.done $0x0  }
0x5a: {  	s22 =	ssub.s32 $0x2, s22;
	s21 =	sadd.s32 s21, s25;
	[sflag:s4] =	ssyncadd.s32 $0xFFFF0000  }
0x5b: {  	[tilespmem:s3], [sflag:$0x2] =	stream.linear.gather [hbm4b:s21+s3], $0x200, $0x38;
	[tilespmem:$0x10200] =	vst v63  }
0x5c: {  	s29 =	sshrl.u32 s22, $0x1;
	_ =	swait.ge [sflag:s4], $0x200  }
0x5d: {  	s25 =	ssub.s32 s22, s29;
	[sflag:s4] =	ssyncset.done $0x0  }
0x5e: {  	s31 =	smax.u32 s25, $0x1;
	[sflag:s4] =	ssyncadd.s32 $0xFFFFFE00  }
0x5f: {  	[tilespmem:s6], [sflag:$0x1] =	stream.indirect.gather [hbm4b:s2+s6], $0x80, s3, s6, $0xb8;
	[tilespmem:$0x10200] =	vst v63  }
0x60: {  	p0 =	sne.s32 s31, $0x1;
	_ =	swait.ge [sflag:s7], $0x10000  }
.Ltmp0:
0x61: {  	s30 =	sshll.u32 s24, $0x4;
	[sflag:s7] =	ssyncset.done $0x0;
	(pc) =	sbr.rel @!p0 .LBB2_2-.Ltmp0, $4  }
0x62: {  	s22 =	sadd.s32 s23, s30;
	[sflag:s7] =	ssyncadd.s32 $0xFFFF0000  }
0x63: {  	[hbm4b:s22+s3] =	stream.linear.scatter [tilespmem:s6], [sflag:$0x2], $0x10000, $0x38;
	[tilespmem:$0x10200] =	vst v63  }
0x64: {  	_ =	swait.ge [sflag:s4], $0x10000  }
0x65: {  	s23 =	sadd.s32 $0xFFFFFFFF, s31;
	[sflag:s4] =	ssyncset.done $0x0  }
.LBB2_1:
0x66: {  	p0 =	sne.s32 s23, $0x1;
	s23 =	sadd.s32 $0xFFFFFFFF, s23;
	[sflag:s4] =	ssyncadd.s32 $0xFFFF0000  }
0x67: {  	[tilespmem:s3], [sflag:$0x2] =	stream.linear.gather [hbm4b:s5+s3], $0x200, $0x38;
	[tilespmem:$0x10200] =	vst v63  }
0x68: {  	_ =	swait.ge [sflag:s4], $0x200  }
0x69: {  	[sflag:s4] =	ssyncset.done $0x0  }
0x6a: {  	[sflag:s4] =	ssyncadd.s32 $0xFFFFFE00  }
0x6b: {  	[tilespmem:s6], [sflag:$0x1] =	stream.indirect.gather [hbm4b:s2+s6], $0x80, s3, s6, $0xb8;
	[tilespmem:$0x10200] =	vst v63  }
0x6c: {  	_ =	swait.ge [sflag:s7], $0x10000  }
0x6d: {  	[sflag:s7] =	ssyncset.done $0x0  }
0x6e: {  	[sflag:s7] =	ssyncadd.s32 $0xFFFF0000  }
0x6f: {  	[hbm4b:s8+s3] =	stream.linear.scatter [tilespmem:s6], [sflag:$0x2], $0x10000, $0x38;
	[tilespmem:$0x10200] =	vst v63  }
0x70: {  	_ =	swait.ge [sflag:s4], $0x10000  }
0x71: {  	[sflag:s4] =	ssyncset.done $0x0  }
0x72: {  	[sflag:s4] =	ssyncadd.s32 $0xFFFF0000  }
0x73: {  	[tilespmem:s3], [sflag:$0x2] =	stream.linear.gather [hbm4b:s9+s3], $0x200, $0x38;
	[tilespmem:$0x10200] =	vst v63  }
0x74: {  	_ =	swait.ge [sflag:s4], $0x200  }
0x75: {  	[sflag:s4] =	ssyncset.done $0x0  }
0x76: {  	[sflag:s4] =	ssyncadd.s32 $0xFFFFFE00  }
0x77: {  	[tilespmem:s6], [sflag:$0x1] =	stream.indirect.gather [hbm4b:s2+s6], $0x80, s3, s6, $0xb8;
	[tilespmem:$0x10200] =	vst v63  }
0x78: {  	_ =	swait.ge [sflag:s7], $0x10000  }
0x79: {  	[sflag:s7] =	ssyncset.done $0x0  }
0x7a: {  	[sflag:s7] =	ssyncadd.s32 $0xFFFF0000  }
0x7b: {  	[hbm4b:s10+s3] =	stream.linear.scatter [tilespmem:s6], [sflag:$0x2], $0x10000, $0x38;
	[tilespmem:$0x10200] =	vst v63  }
0x7c: {  	_ =	swait.ge [sflag:s4], $0x10000  }
0x7d: {  	[sflag:s4] =	ssyncset.done $0x0  }
0x7e: {  	[sflag:s4] =	ssyncadd.s32 $0xFFFF0000  }
0x7f: {  	[tilespmem:s3], [sflag:$0x2] =	stream.linear.gather [hbm4b:s11+s3], $0x200, $0x38;
	[tilespmem:$0x10200] =	vst v63  }
0x80: {  	_ =	swait.ge [sflag:s4], $0x200  }
0x81: {  	[sflag:s4] =	ssyncset.done $0x0  }
0x82: {  	[sflag:s4] =	ssyncadd.s32 $0xFFFFFE00  }
0x83: {  	[tilespmem:s6], [sflag:$0x1] =	stream.indirect.gather [hbm4b:s2+s6], $0x80, s3, s6, $0xb8;
	[tilespmem:$0x10200] =	vst v63  }
0x84: {  	_ =	swait.ge [sflag:s7], $0x10000  }
0x85: {  	[sflag:s7] =	ssyncset.done $0x0  }
0x86: {  	[sflag:s7] =	ssyncadd.s32 $0xFFFF0000  }
0x87: {  	[hbm4b:s12+s3] =	stream.linear.scatter [tilespmem:s6], [sflag:$0x2], $0x10000, $0x38;
	[tilespmem:$0x10200] =	vst v63  }
0x88: {  	_ =	swait.ge [sflag:s4], $0x10000  }
0x89: {  	[sflag:s4] =	ssyncset.done $0x0  }
0x8a: {  	[sflag:s4] =	ssyncadd.s32 $0xFFFF0000  }
0x8b: {  	[tilespmem:s3], [sflag:$0x2] =	stream.linear.gather [hbm4b:s13+s3], $0x200, $0x38;
	[tilespmem:$0x10200] =	vst v63  }
0x8c: {  	_ =	swait.ge [sflag:s4], $0x200  }
0x8d: {  	[sflag:s4] =	ssyncset.done $0x0  }
0x8e: {  	[sflag:s4] =	ssyncadd.s32 $0xFFFFFE00  }
0x8f: {  	[tilespmem:s6], [sflag:$0x1] =	stream.indirect.gather [hbm4b:s2+s6], $0x80, s3, s6, $0xb8;
	[tilespmem:$0x10200] =	vst v63  }
0x90: {  	_ =	swait.ge [sflag:s7], $0x10000  }
0x91: {  	[sflag:s7] =	ssyncset.done $0x0  }
0x92: {  	[sflag:s7] =	ssyncadd.s32 $0xFFFF0000  }
0x93: {  	[hbm4b:s14+s3] =	stream.linear.scatter [tilespmem:s6], [sflag:$0x2], $0x10000, $0x38;
	[tilespmem:$0x10200] =	vst v63  }
0x94: {  	_ =	swait.ge [sflag:s4], $0x10000  }
0x95: {  	[sflag:s4] =	ssyncset.done $0x0  }
0x96: {  	[sflag:s4] =	ssyncadd.s32 $0xFFFF0000  }
0x97: {  	[tilespmem:s3], [sflag:$0x2] =	stream.linear.gather [hbm4b:s15+s3], $0x200, $0x38;
	[tilespmem:$0x10200] =	vst v63  }
0x98: {  	_ =	swait.ge [sflag:s4], $0x200  }
0x99: {  	[sflag:s4] =	ssyncset.done $0x0  }
0x9a: {  	[sflag:s4] =	ssyncadd.s32 $0xFFFFFE00  }
0x9b: {  	[tilespmem:s6], [sflag:$0x1] =	stream.indirect.gather [hbm4b:s2+s6], $0x80, s3, s6, $0xb8;
	[tilespmem:$0x10200] =	vst v63  }
0x9c: {  	_ =	swait.ge [sflag:s7], $0x10000  }
0x9d: {  	[sflag:s7] =	ssyncset.done $0x0  }
0x9e: {  	[sflag:s7] =	ssyncadd.s32 $0xFFFF0000  }
0x9f: {  	[hbm4b:s16+s3] =	stream.linear.scatter [tilespmem:s6], [sflag:$0x2], $0x10000, $0x38;
	[tilespmem:$0x10200] =	vst v63  }
0xa0: {  	_ =	swait.ge [sflag:s4], $0x10000  }
0xa1: {  	[sflag:s4] =	ssyncset.done $0x0  }
0xa2: {  	[sflag:s4] =	ssyncadd.s32 $0xFFFF0000  }
0xa3: {  	[tilespmem:s3], [sflag:$0x2] =	stream.linear.gather [hbm4b:s17+s3], $0x200, $0x38;
	[tilespmem:$0x10200] =	vst v63  }
0xa4: {  	_ =	swait.ge [sflag:s4], $0x200  }
0xa5: {  	[sflag:s4] =	ssyncset.done $0x0  }
0xa6: {  	[sflag:s4] =	ssyncadd.s32 $0xFFFFFE00  }
0xa7: {  	[tilespmem:s6], [sflag:$0x1] =	stream.indirect.gather [hbm4b:s2+s6], $0x80, s3, s6, $0xb8;
	[tilespmem:$0x10200] =	vst v63  }
0xa8: {  	_ =	swait.ge [sflag:s7], $0x10000  }
0xa9: {  	[sflag:s7] =	ssyncset.done $0x0  }
0xaa: {  	[sflag:s7] =	ssyncadd.s32 $0xFFFF0000  }
0xab: {  	[hbm4b:s18+s3] =	stream.linear.scatter [tilespmem:s6], [sflag:$0x2], $0x10000, $0x38;
	[tilespmem:$0x10200] =	vst v63  }
0xac: {  	_ =	swait.ge [sflag:s4], $0x10000  }
0xad: {  	[sflag:s4] =	ssyncset.done $0x0  }
0xae: {  	[sflag:s4] =	ssyncadd.s32 $0xFFFF0000  }
0xaf: {  	[tilespmem:s3], [sflag:$0x2] =	stream.linear.gather [hbm4b:s19+s3], $0x200, $0x38;
	[tilespmem:$0x10200] =	vst v63  }
0xb0: {  	_ =	swait.ge [sflag:s4], $0x200  }
0xb1: {  	[sflag:s4] =	ssyncset.done $0x0  }
0xb2: {  	[sflag:s4] =	ssyncadd.s32 $0xFFFFFE00  }
0xb3: {  	[tilespmem:s6], [sflag:$0x1] =	stream.indirect.gather [hbm4b:s2+s6], $0x80, s3, s6, $0xb8;
	[tilespmem:$0x10200] =	vst v63  }
0xb4: {  	_ =	swait.ge [sflag:s7], $0x10000  }
0xb5: {  	[sflag:s7] =	ssyncset.done $0x0  }
0xb6: {  	[sflag:s7] =	ssyncadd.s32 $0xFFFF0000  }
0xb7: {  	[hbm4b:s20+s3] =	stream.linear.scatter [tilespmem:s6], [sflag:$0x2], $0x10000, $0x38;
	[tilespmem:$0x10200] =	vst v63  }
0xb8: {  	_ =	swait.ge [sflag:s4], $0x10000  }
0xb9: {  	[sflag:s4] =	ssyncset.done $0x0  }
0xba: {  	[sflag:s4] =	ssyncadd.s32 $0xFFFF0000  }
0xbb: {  	[tilespmem:s3], [sflag:$0x2] =	stream.linear.gather [hbm4b:s21+s3], $0x200, $0x38;
	[tilespmem:$0x10200] =	vst v63  }
0xbc: {  	_ =	swait.ge [sflag:s4], $0x200  }
0xbd: {  	[sflag:s4] =	ssyncset.done $0x0  }
0xbe: {  	[sflag:s4] =	ssyncadd.s32 $0xFFFFFE00  }
0xbf: {  	[tilespmem:s6], [sflag:$0x1] =	stream.indirect.gather [hbm4b:s2+s6], $0x80, s3, s6, $0xb8;
	[tilespmem:$0x10200] =	vst v63  }
0xc0: {  	_ =	swait.ge [sflag:s7], $0x10000  }
.Ltmp1:
0xc1: {  	[sflag:s7] =	ssyncset.done $0x0;
	(pc) =	sbr.rel @p0 .LBB2_1-.Ltmp1, $4  }
0xc2: {  	[sflag:s7] =	ssyncadd.s32 $0xFFFF0000  }
0xc3: {  	[hbm4b:s22+s3] =	stream.linear.scatter [tilespmem:s6], [sflag:$0x2], $0x10000, $0x38;
	[tilespmem:$0x10200] =	vst v63  }
0xc4: {  	_ =	swait.ge [sflag:s4], $0x10000  }
0xc5: {  	[sflag:s4] =	ssyncset.done $0x0  }
.LBB2_2:
0xc6: {  	[sflag:s4] =	ssyncadd.s32 $0xFFFF0000  }
0xc7: {  	_ =	sfence.sel $0x180000  }
0xc8: {  	[bflag:$0x0] =	sbarrier.arrive $0xFFFF  }
0xc9: {  	p0 =	sne.s32 s0, $0x0;
	_ =	strace $0x9000004D  }
0xca: {  	s0 =	sadd.s32 @!p0 $0x100000, s1;
	[bflag:$0x2] =	sbarrier.arrive $0xFFFF  }
0xcb: {  	[sflag:s0] =	ssyncadd.tile.s32 @!p0 $0x1;
	_ =	shalt  }
.Lfunc_end2:
_tile_overlayer_lowered:
.L_overlay_start_2:
0xcc: {  	(tag) =	ssettag $0x2  }
0xcd: {  	s0 =	rddreg [dreg:$0x0];
	s2 =	stileid.u32  }
0xce: {  	s1 =	rddreg [dreg:$0x1];
	p0 =	sne.s32 s2, $0x0  }
0xcf: {  	s3 =	rddreg [dreg:$0x2];
	[bflag:$0x3] =	sbarrier.arrive $0xFFFF;
	s2 =	simm.s32 @!p0 $0x1C02  }
0xd0: {  	[timem:s3], [sflag:s2] =	dma.local @!p0 [hbm:s0], s1  }
0xd1: {  	s0 =	simm.s32 @!p0 $0x2  }
0xd2: {  	_ =	swait.ge @!p0 [sflag:s0], s1  }
0xd3: {  	s1 =	ssub.s32 @!p0 $0x0, s1;
	[sflag:s0] =	ssyncset.done @!p0 $0x0  }
0xd4: {  	[sflag:s0] =	ssyncadd.s32 @!p0 s1  }
0xd5: {  	[bflag:$0x3] =	sbarrier.arrive $0xFFFF  }
0xd6: {  	_ =	shalt  }

// kernel: kernel.9.cloned.1.call-start
scs
__scs_entry_jumppad:
0x0: {  	(pc) =	sbr.rel $0x88, $3  }
0x1: {  	(tag) =	ssettag $0x0;
	lr =	simm.s32 $0x1  }
0x2: {  	[smem:$0x3F84] =	sst lr;
	_ =	strace $0xD0000000  }
0x3: {  	_ = 	snop  }
0x4: {  	_ = 	snop  }
0x5: {  	_ = 	snop  }
0x6: {  	_ = 	snop  }
0x7: {  	_ = 	snop  }
__scs_overlays_trampoline_lowered:
0x8: {  	[smem:$0x3F93] =	sst s0  }
0x9: {  	[smem:$0x3F94] =	sst s1  }
0xa: {  	[smem:$0x3F95] =	sst s2  }
0xb: {  	[smem:$0x3F96] =	sst s3  }
0xc: {  	[smem:$0x3F97] =	sst s4  }
0xd: {  	[smem:$0x3F98] =	sst s5  }
0xe: {  	[smem:$0x3F99] =	sst s6  }
0xf: {  	[smem:$0x3F9A] =	sst s7  }
0x10: {  	[smem:$0x3F9B] =	sst s8  }
0x11: {  	[smem:$0x3F9C] =	sst s9;
	s0 =	simm.s32 @!p0 $0x0  }
0x12: {  	s1 =	sld [smem:$0x3F82];
	s0 =	simm.s32 @p0 $0x1  }
0x13: {  	[smem:$0x3F9D] =	sst s0;
	s0 =	simm.s32 @!p1 $0x0  }
0x14: {  	s2 =	sld [smem:$0x3F81];
	s0 =	simm.s32 @p1 $0x1  }
0x15: {  	[smem:$0x3F9E] =	sst s0;
	s0 =	simm.s32 @!p2 $0x0  }
0x16: {  	s3 =	sld [smem:$0x3FDB];
	s0 =	simm.s32 @p2 $0x1  }
0x17: {  	s4 =	simm.s32 $0x1BF5;
	[smem:$0x3FA0] =	sst s0  }
0x18: {  	s0 =	sld [smem:$0x3F83];
	_ =	swait.ge [sflag:s4], $0x0  }
0x19: {  	s7 =	sld [smem:$0x3F84]  }
0x1a: {  	s8 =	sadd.s32 $0xFFFFE003, lr  }
0x1b: {  	s9 =	sadd.s32 $0xFFFFFEF7, lr;
	s5 =	simm.s32 $0xFFFFFFFF;
	p2 =	slt.u32 s8, $0xFFFFF086  }
0x1c: {  	p1 =	slt.u32 s9, $0xF7A;
	s5 =	simm.s32 @!p2 $0x0  }
0x1d: {  	s5 =	simm.s32 @p1 $0x1;
	p0 =	seq.s32 s7, s2  }
0x1e: {  	s7 =	smul.u32 @!p0 $0xF7A, s2;
	p2 =	seq.s32 @!p0 s5, $0x0  }
0x1f: {  	s9 =	smul.u32 $0xF7A, s1;
	s8 =	simm.s32 @!p0 $0x1BF5;
	p2 =	por !p2, p0  }
0x20: {  	[sflag:s8] =	ssyncset.s32 @!p0 $0xFFFFF086;
	s6 =	sadd.s32 @!p0 s3, s7;
	s7 =	simm.s32 @!p0 $0x108  }
0x21: {  	s3 =	sadd.s32 s3, s9;
	s6 =	sadd.s32 @!p0 $0x88, s6;
	s7 =	simm.s32 @p2 $0x1082  }
0x22: {  	[simem:s7], [sflag:s8] =	dma.local @!p0 [hbm:s6], $0xF7A  }
0x23: {  	s9 =	sor.u32 $0xD0000000, s2;
	s6 =	simm.s32 $0x108;
	_ =	swait.ge @!p0 [sflag:s8], $0x0  }
0x24: {  	s3 =	sadd.s32 $0x88, s3;
	s6 =	simm.s32 @!p1 $0x1082;
	[sflag:s4] =	ssyncset.s32 $0xFFFFF086  }
0x25: {  	[simem:s6], [sflag:s4] =	dma.local [hbm:s3], $0xF7A  }
0x26: {  	[smem:$0x3F84] =	sst s1;
	(tag) =	ssettag s2;
	_ =	strace s9  }
0x27: {  	s1 =	sld [smem:$0x3F94]  }
0x28: {  	s2 =	sld [smem:$0x3F95]  }
0x29: {  	s4 =	sld [smem:$0x3F97]  }
0x2a: {  	p0 =	seq.s32 s5, $0x0;
	s5 =	sld [smem:$0x3F98]  }
0x2b: {  	s6 =	sld [smem:$0x3F99]  }
0x2c: {  	s7 =	sld [smem:$0x3F9A]  }
0x2d: {  	s3 =	simm.s32 $0x108;
	s8 =	sld [smem:$0x3F9B]  }
0x2e: {  	s3 =	simm.s32 @!p0 $0x1082;
	s9 =	sld [smem:$0x3F9C]  }
0x2f: {  	lr =	sadd.s32 s0, s3;
	s0 =	sld [smem:$0x3F93]  }
0x30: {  	s3 =	sld [smem:$0x3F96]  }
0x31: {  	[smem:$0x3F9F] =	sst s10  }
0x32: {  	s10 =	sld [smem:$0x3F9D];
	_ =	sdelay $0x3  }
0x33: {  	p0 =	seq.s32 s10, $0x1;
	s10 =	sld [smem:$0x3F9F];
	_ =	sdelay $0x3  }
0x34: {  	[smem:$0x3F9F] =	sst s10  }
0x35: {  	s10 =	sld [smem:$0x3F9E];
	_ =	sdelay $0x3  }
0x36: {  	p1 =	seq.s32 s10, $0x1;
	s10 =	sld [smem:$0x3F9F];
	_ =	sdelay $0x3  }
0x37: {  	[smem:$0x3F9F] =	sst s10  }
0x38: {  	s10 =	sld [smem:$0x3FA0]  }
0x39: {  	_ = 	snop;
	(pc) =	sbr.ind lr, $3  }
0x3a: {  	_ = 	snop  }
0x3b: {  	_ = 	snop  }
0x3c: {  	p2 =	seq.s32 s10, $0x1;
	s10 =	sld [smem:$0x3F9F]  }
0x3d: {  	_ =	shalt  }
0x3e: {  	_ =	shalt  }
0x3f: {  	_ =	shalt  }
0x40: {  	_ =	shalt  }
0x41: {  	_ =	shalt  }
0x42: {  	_ =	shalt  }
0x43: {  	_ =	shalt  }
0x44: {  	_ =	shalt  }
0x45: {  	_ =	shalt  }
0x46: {  	_ =	shalt  }
0x47: {  	_ =	shalt  }
0x48: {  	_ =	shalt  }
0x49: {  	_ =	shalt  }
0x4a: {  	_ =	shalt  }
0x4b: {  	_ =	shalt  }
0x4c: {  	_ =	shalt  }
0x4d: {  	_ =	shalt  }
0x4e: {  	_ =	shalt  }
0x4f: {  	_ =	shalt  }
0x50: {  	_ =	shalt  }
0x51: {  	_ =	shalt  }
0x52: {  	_ =	shalt  }
0x53: {  	_ =	shalt  }
0x54: {  	_ =	shalt  }
0x55: {  	_ =	shalt  }
0x56: {  	_ =	shalt  }
0x57: {  	_ =	shalt  }
0x58: {  	_ =	shalt  }
0x59: {  	_ =	shalt  }
0x5a: {  	_ =	shalt  }
0x5b: {  	_ =	shalt  }
0x5c: {  	_ =	shalt  }
0x5d: {  	_ =	shalt  }
0x5e: {  	_ =	shalt  }
0x5f: {  	_ =	shalt  }
0x60: {  	_ =	shalt  }
0x61: {  	_ =	shalt  }
0x62: {  	_ =	shalt  }
0x63: {  	_ =	shalt  }
0x64: {  	_ =	shalt  }
0x65: {  	_ =	shalt  }
0x66: {  	_ =	shalt  }
0x67: {  	_ =	shalt  }
0x68: {  	_ =	shalt  }
0x69: {  	_ =	shalt  }
0x6a: {  	_ =	shalt  }
0x6b: {  	_ =	shalt  }
0x6c: {  	_ =	shalt  }
0x6d: {  	_ =	shalt  }
0x6e: {  	_ =	shalt  }
0x6f: {  	_ =	shalt  }
0x70: {  	_ =	shalt  }
0x71: {  	_ =	shalt  }
0x72: {  	_ =	shalt  }
0x73: {  	_ =	shalt  }
0x74: {  	_ =	shalt  }
0x75: {  	_ =	shalt  }
0x76: {  	_ =	shalt  }
0x77: {  	_ =	shalt  }
0x78: {  	_ =	shalt  }
0x79: {  	_ =	shalt  }
0x7a: {  	_ =	shalt  }
0x7b: {  	_ =	shalt  }
0x7c: {  	_ =	shalt  }
0x7d: {  	_ =	shalt  }
0x7e: {  	_ =	shalt  }
0x7f: {  	_ =	shalt  }
0x80: {  	_ =	shalt  }
0x81: {  	_ =	shalt  }
0x82: {  	_ =	shalt  }
0x83: {  	_ =	shalt  }
0x84: {  	_ =	shalt  }
0x85: {  	_ =	shalt  }
0x86: {  	_ =	shalt  }
0x87: {  	_ =	shalt  }
.Lfunc_end0:
.L_simem_size_0:
called_computation_lowered:
.L_overlay_start_0:
0x88: {  	s2 =	sld [smem:$0x3FD9]  }
0x89: {  	s3 =	sld [smem:$0x3FFE];
	_ =	sdelay $0x1  }
0x8a: {  	s1 =	srdreg.scid  }
0x8b: {  	s0 =	sand.u32 $0x1, s1  }
0x8c: {  	s17 =	sshll.u32 s0, $0xA;
	s2 =	sadd.s32 s3, s2  }
0x8d: {  	s2 =	sadd.s32 s2, s17  }
0x8e: {  	[smem:$0x3FAB] =	sst s2  }
0x8f: {  	_ = 	snop  }
0x90: {  	s2 =	sld [smem:$0x3FC5];
	(tm) =	ssettm $0x1  }
0x91: {  	s18 =	sld [smem:$0x3FFB];
	_ =	sdelay $0x3  }
0x92: {  	_ =	strace s18  }
0x93: {  	s3 =	sld [smem:$0x3FFC];
	_ =	sdelay $0x3  }
0x94: {  	_ =	strace s3  }
0x95: {  	s3 =	sld [smem:$0x3FFD];
	_ =	sdelay $0x3  }
0x96: {  	_ =	strace s3  }
0x97: {  	_ =	strace $0x8FFFFFFF  }
0x98: {  	s19 =	sld [smem:$0x3FDB];
	_ =	sdelay $0x1  }
0x99: {  	s4 =	simm.s32 $_scs_section_size  }
0x9a: {  	s5 =	simm.s32 $_size__tile_overlayer_lowered;
	s6 =	simm.s32 $_tile_overlayer_lowered  }
0x9b: {  	s22 =	simm.s32 $0x1BFF;
	s21 =	sshll.u32 s6, $0x1;
	s3 =	sadd.s32 s4, s19  }
0x9c: {  	s7 =	simm.s32 $0x0;
	s20 =	sshll.u32 s5, $0x1;
	s5 =	sadd.s32 s21, s3  }
0x9d: {  	[timem:s7], [sflag:s22] =	dma.local [hbm:s5], s20  }
0x9e: {  	_ =	swait.ge [sflag:s22], s20  }
0x9f: {  	s4 =	ssub.s32 $0x0, s20;
	[sflag:s22] =	ssyncset.done $0x0  }
0xa0: {  	[sflag:s22] =	ssyncadd.s32 s4;
	_ =	sdelay $0x1  }
0xa1: {  	s23 =	simm.s32 $0x1B8B  }
0xa2: {  	_ =	swait.ge [sflag:s23], $0x1  }
0xa3: {  	[sflag:s23] =	ssyncset.done $0x0  }
0xa4: {  	s25 =	simm.s32 $0x1B8E;
	s24 =	sld [smem:$0x3FFE];
	[sflag:s23] =	ssyncadd.s32 $0xFFFFFFFF  }
0xa5: {  	s26 =	simm.s32 $execute0_lowered;
	[smem:$0x3FD2] =	sst s25  }
0xa6: {  	s5 =	sshll.u32 s26, $0x1;
	_ =	strace $0x80000046;
	[dreg:$0x1] =	wrdreg $0xFFFFFFFF  }
0xa7: {  	s28 =	simm.s32 $_size_execute0_lowered;
	s3 =	sadd.s32 s3, s5;
	[dreg:$0x0] =	wrdreg $0x0  }
0xa8: {  	s5 =	sshll.u32 s28, $0x1;
	[dreg:$0x2] =	wrdreg s3  }
0xa9: {  	[dreg:$0x3] =	wrdreg s5  }
0xaa: {  	[dreg:$0x4] =	wrdreg $0xC0  }
0xab: {  	_ =	task [dreg:s7], $0x5FFFF  }
0xac: {  	[dreg:$0x1] =	wrdreg $0xFFFFFFFF  }
0xad: {  	[dreg:$0x0] =	wrdreg $0x60  }
0xae: {  	[dreg:$0x2] =	wrdreg s24  }
0xaf: {  	[dreg:$0x3] =	wrdreg s2  }
0xb0: {  	[dreg:$0x4] =	wrdreg $0x9  }
0xb1: {  	_ =	task.clear_ibuf [dreg:s7], $0x5FFFF;
	_ =	strace $0x90000046  }
0xb2: {  	s29 =	simm.s32 $0x9;
	_ =	strace $0x80000048  }
0xb3: {  	_ =	swait.ge [sflag:s29], $0x1  }
0xb4: {  	[sflag:s29] =	ssyncadd.s32 $0xFFFFFFFF  }
0xb5: {  	_ =	strace $0x90000048  }
0xb6: {  	_ =	sfence  }
0xb7: {  	s30 =	sld [smem:$0x0];
	_ =	sdelay $0x2  }
0xb8: {  	s31 =	sshll.u32 s1, $0xD;
	s1 =	sshrl.u32 s1, $0x2  }
0xb9: {  	s3 =	sand.u32 $0x4000, s31;
	s1 =	sadd.s32 s1, s30  }
0xba: {  	s0 =	sor.u32 s3, s0;
	s1 =	sshll.u32 s1, $0x11  }
0xbb: {  	s0 =	sor.u32 s1, s0  }
0xbc: {  	s0 =	sadd.s32 $0x8F2B, s0  }
0xbd: {  	[sflag:s0] =	ssyncadd.remote.s32 $0x1  }
0xbe: {  	_ =	sfence.sel $0xFFFF  }
0xbf: {  	[dreg:$0x0] =	wrdreg $0xFFFFFFFF;
	(pc) =	sbr.abs _section_cstart, $3  }
0xc0: {  	[dreg:$0x1] =	wrdreg $0xFFFFFFFF  }
0xc1: {  	_ =	task.clear_ibuf [dreg:s7], $0x2FFFF;
	_ =	strace $0x9FFFFFFF  }
0xc2: {  	(tm) =	ssettm $0x7FFFFFFF  }
0xc3: {  	_ =	shalt  }
tec
execute0_lowered:
.L_overlay_start_1:
0x0: {  	(tag) =	ssettag $0x1  }
0x1: {  	s1 =	srdreg.scid  }
0x2: {  	s0 =	stileid.u32;
	s15 =	sand.u32 $0x1, s1  }
0x3: {  	s16 =	rddreg [dreg:$0x0];
	s29 =	sshll.u32 s0, $0x5;
	s3 =	sshll.u32 s15, $0x4  }
0x4: {  	s2 =	rddreg [dreg:$0x1];
	s17 =	sor.u32 s3, s29  }
0x5: {  	s1 =	rddreg [dreg:$0x2];
	s3 =	simm.s32 $0x0;
	s4 =	sshrl.u32 s17, $0x3  }
0x6: {  	[smem:$0x7FF] =	sst s3;
	s4 =	sadd.s32 s4, s16  }
0x7: {  	_ =	strace $0x80000047;
	s5 =	sadd.s32 $0x5000, s4;
	s4 =	simm.s32 $0x4  }
0x8: {  	[tilespmem:s3], [sflag:$0x4] =	stream.linear.gather [hbm4b:s5+s3], $0x10, $0x38;
	[tilespmem:$0xA10] =	vst v63  }
0x9: {  	_ =	swait.ge [sflag:s4], $0x10  }
0xa: {  	[sflag:s4] =	ssyncset.done $0x0  }
0xb: {  	s7 =	simm.s32 $0x10;
	s6 =	sadd.s32 $0x1BC800, s16;
	[sflag:s4] =	ssyncadd.s32 $0xFFFFFFF0  }
0xc: {  	[tilespmem:s7], [sflag:$0x1] =	stream.indirect.gather [hbm4b:s6+s7], $0x10, s3, s7, $0xb8;
	[tilespmem:$0xA10] =	vst v63  }
0xd: {  	s9 =	simm.s32 $0x110;
	s8 =	sadd.s32 $0x18BA00, s16  }
0xe: {  	[tilespmem:s9], [sflag:$0x2] =	stream.indirect.gather [hbm4b:s8+s7], $0x10, s3, s7, $0xb8;
	[tilespmem:$0xA10] =	vst v63  }
0xf: {  	s10 =	simm.s32 $0x210;
	s11 =	simm.s32 $0x1  }
0x10: {  	[tilespmem:s10], [sflag:$0x3] =	stream.indirect.gather [hbm4b:s2+s7], $0x80, s3, s7, $0xb8;
	[tilespmem:$0xA10] =	vst v63  }
0x11: {  	_ =	swait.ge [sflag:s11], $0x100  }
0x12: {  	[sflag:s11] =	ssyncset.done $0x0  }
0x13: {  	s12 =	simm.s32 $0x2;
	[sflag:s11] =	ssyncadd.s32 $0xFFFFFF00  }
0x14: {  	_ =	swait.ge [sflag:s12], $0x100  }
0x15: {  	[sflag:s12] =	ssyncset.done $0x0  }
0x16: {  	s13 =	simm.s32 $0x3;
	[sflag:s12] =	ssyncadd.s32 $0xFFFFFF00  }
0x17: {  	s14 =	sshll.u32 s17, $0x1;
	_ =	swait.ge [sflag:s13], $0x800  }
0x18: {  	s18 =	sadd.s32 s14, s16;
	[sflag:s13] =	ssyncset.done $0x0  }
0x19: {  	s19 =	ssub.s32 $0x2, s15;
	s14 =	sadd.s32 $0x5600, s18;
	[sflag:s13] =	ssyncadd.s32 $0xFFFFF800  }
0x1a: {  	[hbm4b:s14+s3] =	stream.linear.scatter [tilespmem:s7], [sflag:$0x4], $0x100, $0x38;
	[tilespmem:$0xA10] =	vst v63  }
0x1b: {  	s30 =	sshrl.u32 s19, $0x1;
	s17 =	sshll.u32 s17, $0x4;
	_ =	swait.ge [sflag:s4], $0x100  }
0x1c: {  	s31 =	ssub.s32 s19, s30;
	s16 =	sadd.s32 s17, s16;
	[sflag:s4] =	ssyncset.done $0x0  }
0x1d: {  	s17 =	smax.u32 s31, $0x1;
	s15 =	sadd.s32 $0x5200, s18;
	[sflag:s4] =	ssyncadd.s32 $0xFFFFFF00  }
0x1e: {  	[hbm4b:s15+s3] =	stream.linear.scatter [tilespmem:s9], [sflag:$0x4], $0x100, $0x38;
	[tilespmem:$0xA10] =	vst v63  }
0x1f: {  	p0 =	sne.s32 s17, $0x1;
	_ =	swait.ge [sflag:s4], $0x100  }
.Ltmp0:
0x20: {  	[sflag:s4] =	ssyncset.done $0x0;
	(pc) =	sbr.rel @!p0 .LBB2_2-.Ltmp0, $4  }
0x21: {  	s16 =	sadd.s32 $0x5A00, s16;
	[sflag:s4] =	ssyncadd.s32 $0xFFFFFF00  }
0x22: {  	[hbm4b:s16+s3] =	stream.linear.scatter [tilespmem:s10], [sflag:$0x4], $0x800, $0x38;
	[tilespmem:$0xA10] =	vst v63  }
0x23: {  	_ =	swait.ge [sflag:s4], $0x800  }
0x24: {  	s17 =	sadd.s32 $0xFFFFFFFF, s17;
	[sflag:s4] =	ssyncset.done $0x0  }
.LBB2_1:
0x25: {  	p0 =	sne.s32 s17, $0x1;
	s17 =	sadd.s32 $0xFFFFFFFF, s17;
	[sflag:s4] =	ssyncadd.s32 $0xFFFFF800  }
0x26: {  	[tilespmem:s3], [sflag:$0x4] =	stream.linear.gather [hbm4b:s5+s3], $0x10, $0x38;
	[tilespmem:$0xA10] =	vst v63  }
0x27: {  	_ =	swait.ge [sflag:s4], $0x10  }
0x28: {  	[sflag:s4] =	ssyncset.done $0x0  }
0x29: {  	[sflag:s4] =	ssyncadd.s32 $0xFFFFFFF0  }
0x2a: {  	[tilespmem:s7], [sflag:$0x1] =	stream.indirect.gather [hbm4b:s6+s7], $0x10, s3, s7, $0xb8;
	[tilespmem:$0xA10] =	vst v63  }
0x2b: {  	_ = 	snop  }
0x2c: {  	[tilespmem:s9], [sflag:$0x2] =	stream.indirect.gather [hbm4b:s8+s7], $0x10, s3, s7, $0xb8;
	[tilespmem:$0xA10] =	vst v63  }
0x2d: {  	_ = 	snop  }
0x2e: {  	[tilespmem:s10], [sflag:$0x3] =	stream.indirect.gather [hbm4b:s2+s7], $0x80, s3, s7, $0xb8;
	[tilespmem:$0xA10] =	vst v63  }
0x2f: {  	_ =	swait.ge [sflag:s11], $0x100  }
0x30: {  	[sflag:s11] =	ssyncset.done $0x0  }
0x31: {  	[sflag:s11] =	ssyncadd.s32 $0xFFFFFF00  }
0x32: {  	_ =	swait.ge [sflag:s12], $0x100  }
0x33: {  	[sflag:s12] =	ssyncset.done $0x0  }
0x34: {  	[sflag:s12] =	ssyncadd.s32 $0xFFFFFF00  }
0x35: {  	_ =	swait.ge [sflag:s13], $0x800  }
0x36: {  	[sflag:s13] =	ssyncset.done $0x0  }
0x37: {  	[sflag:s13] =	ssyncadd.s32 $0xFFFFF800  }
0x38: {  	[hbm4b:s14+s3] =	stream.linear.scatter [tilespmem:s7], [sflag:$0x4], $0x100, $0x38;
	[tilespmem:$0xA10] =	vst v63  }
0x39: {  	_ =	swait.ge [sflag:s4], $0x100  }
0x3a: {  	[sflag:s4] =	ssyncset.done $0x0  }
0x3b: {  	[sflag:s4] =	ssyncadd.s32 $0xFFFFFF00  }
0x3c: {  	[hbm4b:s15+s3] =	stream.linear.scatter [tilespmem:s9], [sflag:$0x4], $0x100, $0x38;
	[tilespmem:$0xA10] =	vst v63  }
0x3d: {  	_ =	swait.ge [sflag:s4], $0x100  }
.Ltmp1:
0x3e: {  	[sflag:s4] =	ssyncset.done $0x0;
	(pc) =	sbr.rel @p0 .LBB2_1-.Ltmp1, $4  }
0x3f: {  	[sflag:s4] =	ssyncadd.s32 $0xFFFFFF00  }
0x40: {  	[hbm4b:s16+s3] =	stream.linear.scatter [tilespmem:s10], [sflag:$0x4], $0x800, $0x38;
	[tilespmem:$0xA10] =	vst v63  }
0x41: {  	_ =	swait.ge [sflag:s4], $0x800  }
0x42: {  	[sflag:s4] =	ssyncset.done $0x0  }
.LBB2_2:
0x43: {  	[sflag:s4] =	ssyncadd.s32 $0xFFFFF800  }
0x44: {  	_ =	sfence.sel $0x180000  }
0x45: {  	[bflag:$0x0] =	sbarrier.arrive $0xFFFF  }
0x46: {  	p0 =	sne.s32 s0, $0x0;
	_ =	strace $0x90000047  }
0x47: {  	s0 =	sadd.s32 @!p0 $0x100000, s1;
	[bflag:$0x2] =	sbarrier.arrive $0xFFFF  }
0x48: {  	[sflag:s0] =	ssyncadd.tile.s32 @!p0 $0x1;
	_ =	shalt  }
.Lfunc_end2:
_tile_overlayer_lowered:
.L_overlay_start_2:
0x49: {  	(tag) =	ssettag $0x2  }
0x4a: {  	s0 =	rddreg [dreg:$0x0];
	s2 =	stileid.u32  }
0x4b: {  	s1 =	rddreg [dreg:$0x1];
	p0 =	sne.s32 s2, $0x0  }
0x4c: {  	s3 =	rddreg [dreg:$0x2];
	[bflag:$0x3] =	sbarrier.arrive $0xFFFF;
	s2 =	simm.s32 @!p0 $0x1C04  }
0x4d: {  	[timem:s3], [sflag:s2] =	dma.local @!p0 [hbm:s0], s1  }
0x4e: {  	s0 =	simm.s32 @!p0 $0x4  }
0x4f: {  	_ =	swait.ge @!p0 [sflag:s0], s1  }
0x50: {  	s1 =	ssub.s32 @!p0 $0x0, s1;
	[sflag:s0] =	ssyncset.done @!p0 $0x0  }
0x51: {  	[sflag:s0] =	ssyncadd.s32 @!p0 s1  }
0x52: {  	[bflag:$0x3] =	sbarrier.arrive $0xFFFF  }
0x53: {  	_ =	shalt  }

</sc_bundles>
